<compile_context>
chip_gen: v7x
topology: tpu7x:2x2x1
jax: 0.10.2.dev20260603
libtpu: 0.0.44.dev20260713+nightly
codegen_flags: <defaults>
</compile_context>

<pallas_src>
import functools

import jax
import jax.numpy as jnp
from jax import lax
from jax.experimental import pallas as pl
from jax.experimental.pallas import tpu as pltpu
from jax.experimental.pallas import tpu_sc as plsc

N = 100000
E = 1600000
NUM_FEAT = 11
HIDDEN = 64
NUM_CLASSES = 19
BATCH = 128

FP = 16
BLK = 2048
NB = 49
NPAD = NB * BLK
NTILES = 32
CHUNK = 128
K = 391
EPT = CHUNK * K
ETOT = NTILES * EPT
SLAB = NPAD // 16

_mesh = plsc.VectorSubcoreMesh(core_axis_name="c", subcore_axis_name="s")
_sc_params = pltpu.CompilerParams(use_tc_tiling_on_sc=False)


@functools.partial(
    pl.kernel,
    out_type=jax.ShapeDtypeStruct((2, NPAD), jnp.float32),
    mesh=_mesh,
    scratch_types=[
        pltpu.VMEM((4, CHUNK), jnp.int32),
        pltpu.VMEM((CHUNK,), jnp.float32),
        pltpu.VMEM_SHARED((NPAD,), jnp.float32),
    ],
    compiler_params=_sc_params,
)
def _deg_kernel(dst_hbm, ones_hbm, zeros_hbm, out_hbm, idx_v, ones_v, deg_sp):
    c = lax.axis_index("c")
    s = lax.axis_index("s")
    wid = s * 2 + c
    pltpu.sync_copy(zeros_hbm, deg_sp.at[pl.ds(s * SLAB, SLAB)])
    pltpu.sync_copy(ones_hbm, ones_v)
    plsc.subcore_barrier()
    base = wid * EPT

    def body(j, carry):
        off = base + j * CHUNK
        pltpu.sync_copy(dst_hbm.at[pl.ds(off, CHUNK)], idx_v.at[0])
        pltpu.sync_copy(ones_v, deg_sp.at[idx_v.at[0]], add=True)
        return carry

    lax.fori_loop(0, K, body, 0)
    plsc.subcore_barrier()
    pltpu.sync_copy(
        deg_sp.at[pl.ds(s * SLAB, SLAB)], out_hbm.at[c, pl.ds(s * SLAB, SLAB)]
    )


@functools.partial(
    pl.kernel,
    out_type=jax.ShapeDtypeStruct((2, NPAD, FP), jnp.float32),
    mesh=_mesh,
    scratch_types=[
        pltpu.VMEM((4, CHUNK), jnp.int32),
        pltpu.VMEM((4, CHUNK), jnp.int32),
        pltpu.VMEM((CHUNK, FP), jnp.float32),
        pltpu.VMEM_SHARED((NPAD, FP), jnp.float32),
        pltpu.SemaphoreType.DMA,
    ],
    compiler_params=_sc_params,
)
def _agg_kernel(src_hbm, dst_hbm, xs_hbm, zrows_hbm, out_hbm,
                si_v, di_v, rows_v, agg_sp, sem):
    c = lax.axis_index("c")
    s = lax.axis_index("s")
    wid = s * 2 + c
    pltpu.sync_copy(zrows_hbm, agg_sp.at[pl.ds(s * SLAB, SLAB)])
    plsc.subcore_barrier()
    base = wid * EPT

    def body(j, carry):
        off = base + j * CHUNK
        pltpu.sync_copy(src_hbm.at[pl.ds(off, CHUNK)], si_v.at[0])
        pltpu.sync_copy(dst_hbm.at[pl.ds(off, CHUNK)], di_v.at[0])
        pltpu.async_copy(xs_hbm.at[si_v.at[0]], rows_v, sem).wait()
        pltpu.sync_copy(rows_v, agg_sp.at[di_v.at[0]], add=True)
        return carry

    lax.fori_loop(0, K, body, 0)
    plsc.subcore_barrier()
    pltpu.sync_copy(
        agg_sp.at[pl.ds(s * SLAB, SLAB)], out_hbm.at[c, pl.ds(s * SLAB, SLAB)]
    )


def _prep_body(deg_ref, x_ref, dinv_ref, xs_ref):
    deg = deg_ref[0] + deg_ref[1]
    dinv = jnp.where(deg > 0, lax.rsqrt(jnp.maximum(deg, 1e-12)), 0.0)
    dinv_ref[...] = dinv
    xs_ref[...] = x_ref[...] * dinv


_prep = pl.pallas_call(
    _prep_body,
    grid=(NB,),
    in_specs=[
        pl.BlockSpec((2, BLK, 1), lambda i: (0, i, 0)),
        pl.BlockSpec((BLK, FP), lambda i: (i, 0)),
    ],
    out_specs=[
        pl.BlockSpec((BLK, 1), lambda i: (i, 0)),
        pl.BlockSpec((BLK, FP), lambda i: (i, 0)),
    ],
    out_shape=[
        jax.ShapeDtypeStruct((NPAD, 1), jnp.float32),
        jax.ShapeDtypeStruct((NPAD, FP), jnp.float32),
    ],
)


def _final_body(agg_ref, dinv_ref, batch_ref, w_ref, b_ref, lw_ref, lb_ref,
                out_ref, acc, cnt):
    i = pl.program_id(0)

    @pl.when(i == 0)
    def _():
        acc[...] = jnp.zeros_like(acc)
        cnt[...] = jnp.zeros_like(cnt)

    agg = (agg_ref[0] + agg_ref[1]) * dinv_ref[...]
    h = jnp.maximum(
        jnp.dot(agg, w_ref[...], preferred_element_type=jnp.float32)
        + b_ref[...],
        0.0,
    )
    gids = lax.broadcasted_iota(jnp.int32, (BATCH, BLK), 0)
    mask = (batch_ref[0, 0][None, :] == gids).astype(jnp.float32)
    acc[...] += jnp.dot(mask, h, preferred_element_type=jnp.float32)
    cnt[...] += jnp.sum(mask, axis=1, keepdims=True)

    @pl.when(i == NB - 1)
    def _():
        pooled = acc[...] / jnp.maximum(cnt[...], 1.0)
        out_ref[...] = (
            jnp.dot(pooled, lw_ref[...], preferred_element_type=jnp.float32)
            + lb_ref[...]
        )


_final = pl.pallas_call(
    _final_body,
    grid=(NB,),
    in_specs=[
        pl.BlockSpec((2, BLK, FP), lambda i: (0, i, 0)),
        pl.BlockSpec((BLK, 1), lambda i: (i, 0)),
        pl.BlockSpec((1, 1, BLK), lambda i: (i, 0, 0)),
        pl.BlockSpec((FP, HIDDEN), lambda i: (0, 0)),
        pl.BlockSpec((1, HIDDEN), lambda i: (0, 0)),
        pl.BlockSpec((HIDDEN, NUM_CLASSES), lambda i: (0, 0)),
        pl.BlockSpec((1, NUM_CLASSES), lambda i: (0, 0)),
    ],
    out_specs=pl.BlockSpec((BATCH, NUM_CLASSES), lambda i: (0, 0)),
    out_shape=jax.ShapeDtypeStruct((BATCH, NUM_CLASSES), jnp.float32),
    scratch_shapes=[
        pltpu.VMEM((BATCH, HIDDEN), jnp.float32),
        pltpu.VMEM((BATCH, 1), jnp.float32),
    ],
)


def kernel(x, edge_index, y, batch, W, b, lin_W, lin_b):
    src = edge_index[0]
    dst = edge_index[1]
    pad_e = ETOT - E
    src_p = jnp.concatenate([src, jnp.zeros((pad_e,), jnp.int32)])
    dst_p = jnp.concatenate([dst, jnp.full((pad_e,), N, jnp.int32)])
    x16 = jnp.zeros((NPAD, FP), jnp.float32).at[:N, :NUM_FEAT].set(x)
    batch_p = jnp.concatenate(
        [batch, jnp.full((NPAD - N,), BATCH, jnp.int32)]
    ).reshape(NB, 1, BLK)
    ones_c = jnp.ones((CHUNK,), jnp.float32)
    zer_slab = jnp.zeros((SLAB,), jnp.float32)
    zer_rows = jnp.zeros((SLAB, FP), jnp.float32)

    deg2 = _deg_kernel(dst_p, ones_c, zer_slab)
    dinv, xs = _prep(deg2.reshape(2, NPAD, 1), x16)
    agg2 = _agg_kernel(src_p, dst_p, xs, zer_rows)

    w_pad = jnp.zeros((FP, HIDDEN), jnp.float32).at[:NUM_FEAT].set(W)
    return _final(
        agg2,
        dinv,
        batch_p,
        w_pad,
        b.reshape(1, HIDDEN),
        lin_W,
        lin_b.reshape(1, NUM_CLASSES),
    )

# --- scband reference (transcript-rebuilt; emitter-appended) ---
"""Pipeline reference for scband-gcn-for-batching-68461778698659 (READ-ONLY COPY).

The authoritative reference and input builder live on the scoring server;
editing this copy changes nothing except your own understanding.
"""

import jax, jax.numpy as jnp
import numpy as np

N = 100000
E = 1600000
NUM_FEAT = 11
HIDDEN = 64
NUM_CLASSES = 19
BATCH = 128


def setup_inputs(seed: int = 0) -> dict:
    key = jax.random.key(seed)
    ks = jax.random.split(key, 8)
    x = jax.random.normal(ks[0], (N, NUM_FEAT), dtype=jnp.float32)
    edge_index = jax.random.randint(ks[1], (2, E), 0, N, dtype=jnp.int32)
    y = jax.random.normal(ks[2], (BATCH, NUM_CLASSES), dtype=jnp.float32)
    batch = jnp.sort(jax.random.randint(ks[3], (N,), 0, BATCH, dtype=jnp.int32))
    W = jax.random.normal(ks[4], (NUM_FEAT, HIDDEN), dtype=jnp.float32) * (1.0 / np.sqrt(NUM_FEAT))
    b = jnp.zeros((HIDDEN,), dtype=jnp.float32)
    lin_W = jax.random.normal(ks[5], (HIDDEN, NUM_CLASSES), dtype=jnp.float32) * (1.0 / np.sqrt(HIDDEN))
    lin_b = jnp.zeros((NUM_CLASSES,), dtype=jnp.float32)
    return {"x": x, "edge_index": edge_index, "y": y, "batch": batch,
            "W": W, "b": b, "lin_W": lin_W, "lin_b": lin_b}


def reference(x, edge_index, y, batch, W, b, lin_W, lin_b):
    # GCNConv with add_self_loops=False, normalize=True (PyG semantics)
    src = edge_index[0]
    dst = edge_index[1]
    n = x.shape[0]
    xw = x @ W  # [N, HIDDEN]
    ones = jnp.ones((E,), dtype=jnp.float32)
    deg = jnp.zeros((n,), dtype=jnp.float32).at[dst].add(ones)
    dinv = jnp.where(deg > 0, jax.lax.rsqrt(jnp.maximum(deg, 1e-12)), 0.0)
    norm = dinv[src] * dinv[dst]  # [E]
    msgs = xw[src] * norm[:, None]  # gather + scale
    agg = jnp.zeros((n, HIDDEN), dtype=jnp.float32).at[dst].add(msgs)  # scatter-add
    h = jax.nn.relu(agg + b)
    # global_mean_pool over graph ids (size=BATCH)
    sums = jax.ops.segment_sum(h, batch, num_segments=BATCH)
    counts = jax.ops.segment_sum(jnp.ones((n,), dtype=jnp.float32), batch, num_segments=BATCH)
    pooled = sums / jnp.maximum(counts, 1.0)[:, None]
    # dropout is identity in eval mode; training=False path returns logits
    out = pooled @ lin_W + lin_b
    return out

if __name__ == "__main__":
    import jax
    _d = setup_inputs()
    print(jax.jit(kernel)(*tuple(_d.values())))

</pallas_src>

<mosaic_0001>
#map = affine_map<(d0, d1) -> (0)>
#map1 = affine_map<(d0, d1) -> (0, 0)>
#map2 = affine_map<(d0, d1) -> (0, 0, 0)>
module attributes {stable_mosaic.version = 14 : i64} {
  func.func @_agg_kernel(%arg0: i32, %arg1: i32, %arg2: memref<1601536xi32, #tpu.memory_space<hbm>>, %arg3: memref<1601536xi32, #tpu.memory_space<hbm>>, %arg4: memref<100352x16xf32, #tpu.memory_space<hbm>>, %arg5: memref<6272x16xf32, #tpu.memory_space<hbm>>, %arg6: memref<2x100352x16xf32, #tpu.memory_space<hbm>>, %arg7: memref<4x128xi32, #tpu.memory_space<vmem>>, %arg8: memref<4x128xi32, #tpu.memory_space<vmem>>, %arg9: memref<128x16xf32, #tpu.memory_space<vmem>>, %arg10: memref<100352x16xf32, #tpu.memory_space<vmem_shared>>, %arg11: memref<!tpu.dma_semaphore, #tpu.memory_space<semaphore_mem>>) attributes {dimension_semantics = [#tpu.dimension_semantics<core_parallel>, #tpu.dimension_semantics<subcore_parallel>], iteration_bounds = array<i64: 2, 16>, scalar_prefetch = 0 : i64, scratch_operands = 5 : i64, tpu.core_type = #tpu.core_type<sc_vector_subcore>, window_params = [{transform_indices = #map}, {transform_indices = #map}, {transform_indices = #map1}, {transform_indices = #map1}, {transform_indices = #map2}]} {
    %mul3A = arith.constant 2 : i32
    %mul3A_0 = arith.muli %arg1, %mul3A : i32
    %add3A = arith.addi %mul3A_0, %arg0 : i32
    %mul3A_1 = arith.constant 6272 : i32
    %mul3A_2 = arith.muli %arg1, %mul3A_1 : i32
    "tpu.region"() ({
      %run_scoped3A = tpu.sem_alloc : memref<!tpu.dma_semaphore, #tpu.memory_space<semaphore_mem>>
      %dma_start3A = arith.constant 0 : i32
      %dma_start3A_15 = tpu.memref_slice %arg10[%mul3A_2, %dma_start3A] : memref<100352x16xf32, #tpu.memory_space<vmem_shared>> -> memref<6272x16xf32, #tpu.memory_space<vmem_shared>>
      tpu.enqueue_dma source(%arg5 : memref<6272x16xf32, #tpu.memory_space<hbm>>) target(%dma_start3A_15 : memref<6272x16xf32, #tpu.memory_space<vmem_shared>>) target_semaphore(%run_scoped3A : memref<!tpu.dma_semaphore, #tpu.memory_space<semaphore_mem>>)
      %dma_wait3A = arith.constant 0 : i32
      %dma_wait3A_16 = tpu.memref_slice %arg10[%mul3A_2, %dma_wait3A] : memref<100352x16xf32, #tpu.memory_space<vmem_shared>> -> memref<6272x16xf32, #tpu.memory_space<vmem_shared>>
      tpu.wait_dma2 semaphore(%run_scoped3A : memref<!tpu.dma_semaphore, #tpu.memory_space<semaphore_mem>>) src(%arg5 : memref<6272x16xf32, #tpu.memory_space<hbm>>) dst(%dma_wait3A_16 : memref<6272x16xf32, #tpu.memory_space<vmem_shared>>)
      tpu.yield
    }) : () -> ()
    %barrier3A = arith.constant 0 : index
    tpu.barrier barrier_id(%barrier3A)
    %mul3A_3 = arith.constant 50048 : i32
    %mul3A_4 = arith.muli %add3A, %mul3A_3 : i32
    %scan3A = arith.constant 0 : i32
    %scan3A_5 = arith.constant 0 : i32
    %scan3A_6 = arith.constant 391 : i32
    %scan3A_7 = arith.addi %scan3A_5, %scan3A_6 : i32
    %scan3A_8 = arith.constant 1 : i32
    scf.for %scan3A_15 = %scan3A_5 to %scan3A_7 step %scan3A_8  : i32 {
      %mul3A_16 = arith.constant 128 : i32
      %mul3A_17 = arith.muli %scan3A_15, %mul3A_16 : i32
      %add3A_18 = arith.addi %mul3A_4, %mul3A_17 : i32
      %run_scoped3A = arith.constant 0 : i32
      "tpu.region"() ({
        %run_scoped3A_33 = tpu.sem_alloc : memref<!tpu.dma_semaphore, #tpu.memory_space<semaphore_mem>>
        %dma_start3A_34 = arith.constant 0 : i32
        %dma_start3A_35 = tpu.memref_slice %arg7[%run_scoped3A, %dma_start3A_34] : memref<4x128xi32, #tpu.memory_space<vmem>> -> memref<1x128xi32, #tpu.memory_space<vmem>>
        %dma_start3A_36 = tpu.memref_squeeze %dma_start3A_35 : memref<1x128xi32, #tpu.memory_space<vmem>> -> memref<128xi32, #tpu.memory_space<vmem>>
        %dma_start3A_37 = tpu.memref_slice %arg2[%add3A_18] : memref<1601536xi32, #tpu.memory_space<hbm>> -> memref<128xi32, #tpu.memory_space<hbm>>
        %dma_start3A_38 = arith.constant 0 : i32
        %dma_start3A_39 = tpu.memref_slice %arg7[%run_scoped3A, %dma_start3A_38] : memref<4x128xi32, #tpu.memory_space<vmem>> -> memref<1x128xi32, #tpu.memory_space<vmem>>
        %dma_start3A_40 = tpu.memref_squeeze %dma_start3A_39 : memref<1x128xi32, #tpu.memory_space<vmem>> -> memref<128xi32, #tpu.memory_space<vmem>>
        %dma_start3A_41 = tpu.memref_slice %arg2[%add3A_18] : memref<1601536xi32, #tpu.memory_space<hbm>> -> memref<128xi32, #tpu.memory_space<hbm>>
        tpu.enqueue_dma source(%dma_start3A_41 : memref<128xi32, #tpu.memory_space<hbm>>) target(%dma_start3A_40 : memref<128xi32, #tpu.memory_space<vmem>>) target_semaphore(%run_scoped3A_33 : memref<!tpu.dma_semaphore, #tpu.memory_space<semaphore_mem>>)
        %dma_wait3A_42 = arith.constant 0 : i32
        %dma_wait3A_43 = tpu.memref_slice %arg7[%run_scoped3A, %dma_wait3A_42] : memref<4x128xi32, #tpu.memory_space<vmem>> -> memref<1x128xi32, #tpu.memory_space<vmem>>
        %dma_wait3A_44 = tpu.memref_squeeze %dma_wait3A_43 : memref<1x128xi32, #tpu.memory_space<vmem>> -> memref<128xi32, #tpu.memory_space<vmem>>
        %dma_wait3A_45 = tpu.memref_slice %arg2[%add3A_18] : memref<1601536xi32, #tpu.memory_space<hbm>> -> memref<128xi32, #tpu.memory_space<hbm>>
        %dma_wait3A_46 = arith.constant 0 : i32
        %dma_wait3A_47 = tpu.memref_slice %arg7[%run_scoped3A, %dma_wait3A_46] : memref<4x128xi32, #tpu.memory_space<vmem>> -> memref<1x128xi32, #tpu.memory_space<vmem>>
        %dma_wait3A_48 = tpu.memref_squeeze %dma_wait3A_47 : memref<1x128xi32, #tpu.memory_space<vmem>> -> memref<128xi32, #tpu.memory_space<vmem>>
        %dma_wait3A_49 = tpu.memref_slice %arg2[%add3A_18] : memref<1601536xi32, #tpu.memory_space<hbm>> -> memref<128xi32, #tpu.memory_space<hbm>>
        tpu.wait_dma2 semaphore(%run_scoped3A_33 : memref<!tpu.dma_semaphore, #tpu.memory_space<semaphore_mem>>) src(%dma_wait3A_49 : memref<128xi32, #tpu.memory_space<hbm>>) dst(%dma_wait3A_48 : memref<128xi32, #tpu.memory_space<vmem>>)
        tpu.yield
      }) : () -> ()
      %run_scoped3A_19 = arith.constant 0 : i32
      "tpu.region"() ({
        %run_scoped3A_33 = tpu.sem_alloc : memref<!tpu.dma_semaphore, #tpu.memory_space<semaphore_mem>>
        %dma_start3A_34 = arith.constant 0 : i32
        %dma_start3A_35 = tpu.memref_slice %arg8[%run_scoped3A_19, %dma_start3A_34] : memref<4x128xi32, #tpu.memory_space<vmem>> -> memref<1x128xi32, #tpu.memory_space<vmem>>
        %dma_start3A_36 = tpu.memref_squeeze %dma_start3A_35 : memref<1x128xi32, #tpu.memory_space<vmem>> -> memref<128xi32, #tpu.memory_space<vmem>>
        %dma_start3A_37 = tpu.memref_slice %arg3[%add3A_18] : memref<1601536xi32, #tpu.memory_space<hbm>> -> memref<128xi32, #tpu.memory_space<hbm>>
        %dma_start3A_38 = arith.constant 0 : i32
        %dma_start3A_39 = tpu.memref_slice %arg8[%run_scoped3A_19, %dma_start3A_38] : memref<4x128xi32, #tpu.memory_space<vmem>> -> memref<1x128xi32, #tpu.memory_space<vmem>>
        %dma_start3A_40 = tpu.memref_squeeze %dma_start3A_39 : memref<1x128xi32, #tpu.memory_space<vmem>> -> memref<128xi32, #tpu.memory_space<vmem>>
        %dma_start3A_41 = tpu.memref_slice %arg3[%add3A_18] : memref<1601536xi32, #tpu.memory_space<hbm>> -> memref<128xi32, #tpu.memory_space<hbm>>
        tpu.enqueue_dma source(%dma_start3A_41 : memref<128xi32, #tpu.memory_space<hbm>>) target(%dma_start3A_40 : memref<128xi32, #tpu.memory_space<vmem>>) target_semaphore(%run_scoped3A_33 : memref<!tpu.dma_semaphore, #tpu.memory_space<semaphore_mem>>)
        %dma_wait3A_42 = arith.constant 0 : i32
        %dma_wait3A_43 = tpu.memref_slice %arg8[%run_scoped3A_19, %dma_wait3A_42] : memref<4x128xi32, #tpu.memory_space<vmem>> -> memref<1x128xi32, #tpu.memory_space<vmem>>
        %dma_wait3A_44 = tpu.memref_squeeze %dma_wait3A_43 : memref<1x128xi32, #tpu.memory_space<vmem>> -> memref<128xi32, #tpu.memory_space<vmem>>
        %dma_wait3A_45 = tpu.memref_slice %arg3[%add3A_18] : memref<1601536xi32, #tpu.memory_space<hbm>> -> memref<128xi32, #tpu.memory_space<hbm>>
        %dma_wait3A_46 = arith.constant 0 : i32
        %dma_wait3A_47 = tpu.memref_slice %arg8[%run_scoped3A_19, %dma_wait3A_46] : memref<4x128xi32, #tpu.memory_space<vmem>> -> memref<1x128xi32, #tpu.memory_space<vmem>>
        %dma_wait3A_48 = tpu.memref_squeeze %dma_wait3A_47 : memref<1x128xi32, #tpu.memory_space<vmem>> -> memref<128xi32, #tpu.memory_space<vmem>>
        %dma_wait3A_49 = tpu.memref_slice %arg3[%add3A_18] : memref<1601536xi32, #tpu.memory_space<hbm>> -> memref<128xi32, #tpu.memory_space<hbm>>
        tpu.wait_dma2 semaphore(%run_scoped3A_33 : memref<!tpu.dma_semaphore, #tpu.memory_space<semaphore_mem>>) src(%dma_wait3A_49 : memref<128xi32, #tpu.memory_space<hbm>>) dst(%dma_wait3A_48 : memref<128xi32, #tpu.memory_space<vmem>>)
        tpu.yield
      }) : () -> ()
      %dma_start3A = arith.constant 0 : i32
      %dma_start3A_20 = arith.constant 0 : i32
      %dma_start3A_21 = tpu.memref_slice %arg7[%dma_start3A, %dma_start3A_20] : memref<4x128xi32, #tpu.memory_space<vmem>> -> memref<1x128xi32, #tpu.memory_space<vmem>>
      %dma_start3A_22 = tpu.memref_squeeze %dma_start3A_21 : memref<1x128xi32, #tpu.memory_space<vmem>> -> memref<128xi32, #tpu.memory_space<vmem>>
      %dma_start3A_23 = arith.constant 0 : i32
      %dma_start3A_24 = arith.constant 0 : i32
      %dma_start3A_25 = tpu.memref_slice %arg4[%dma_start3A_23, %dma_start3A_24] : memref<100352x16xf32, #tpu.memory_space<hbm>> -> memref<100352x16xf32, #tpu.memory_space<hbm>>
      tpu.enqueue_indirect_dma source(%dma_start3A_25 : memref<100352x16xf32, #tpu.memory_space<hbm>>) target(%arg9 : memref<128x16xf32, #tpu.memory_space<vmem>>) offsets(%dma_start3A_22 : memref<128xi32, #tpu.memory_space<vmem>>) semaphore(%arg11 : memref<!tpu.dma_semaphore, #tpu.memory_space<semaphore_mem>>)
      %dma_wait3A = arith.constant 0 : i32
      %dma_wait3A_26 = arith.constant 0 : i32
      %dma_wait3A_27 = tpu.memref_slice %arg7[%dma_wait3A, %dma_wait3A_26] : memref<4x128xi32, #tpu.memory_space<vmem>> -> memref<1x128xi32, #tpu.memory_space<vmem>>
      %dma_wait3A_28 = tpu.memref_squeeze %dma_wait3A_27 : memref<1x128xi32, #tpu.memory_space<vmem>> -> memref<128xi32, #tpu.memory_space<vmem>>
      %dma_wait3A_29 = arith.constant 0 : i32
      %dma_wait3A_30 = arith.constant 0 : i32
      %dma_wait3A_31 = tpu.memref_slice %arg4[%dma_wait3A_29, %dma_wait3A_30] : memref<100352x16xf32, #tpu.memory_space<hbm>> -> memref<100352x16xf32, #tpu.memory_space<hbm>>
      tpu.wait_indirect_dma semaphore(%arg11 : memref<!tpu.dma_semaphore, #tpu.memory_space<semaphore_mem>>) src(%dma_wait3A_31 : memref<100352x16xf32, #tpu.memory_space<hbm>>) dst(%arg9 : memref<128x16xf32, #tpu.memory_space<vmem>>)
      %run_scoped3A_32 = arith.constant 0 : i32
      "tpu.region"() ({
        %run_scoped3A_33 = tpu.sem_alloc : memref<!tpu.dma_semaphore, #tpu.memory_space<semaphore_mem>>
        %dma_start3A_34 = arith.constant 0 : i32
        %dma_start3A_35 = tpu.memref_slice %arg8[%run_scoped3A_32, %dma_start3A_34] : memref<4x128xi32, #tpu.memory_space<vmem>> -> memref<1x128xi32, #tpu.memory_space<vmem>>
        %dma_start3A_36 = tpu.memref_squeeze %dma_start3A_35 : memref<1x128xi32, #tpu.memory_space<vmem>> -> memref<128xi32, #tpu.memory_space<vmem>>
        %dma_start3A_37 = arith.constant 0 : i32
        %dma_start3A_38 = arith.constant 0 : i32
        %dma_start3A_39 = tpu.memref_slice %arg10[%dma_start3A_37, %dma_start3A_38] : memref<100352x16xf32, #tpu.memory_space<vmem_shared>> -> memref<100352x16xf32, #tpu.memory_space<vmem_shared>>
        tpu.enqueue_indirect_dma source(%arg9 : memref<128x16xf32, #tpu.memory_space<vmem>>) target(%dma_start3A_39 : memref<100352x16xf32, #tpu.memory_space<vmem_shared>>) offsets(%dma_start3A_36 : memref<128xi32, #tpu.memory_space<vmem>>) semaphore(%run_scoped3A_33 : memref<!tpu.dma_semaphore, #tpu.memory_space<semaphore_mem>>) {add = true}
        %dma_wait3A_40 = arith.constant 0 : i32
        %dma_wait3A_41 = tpu.memref_slice %arg8[%run_scoped3A_32, %dma_wait3A_40] : memref<4x128xi32, #tpu.memory_space<vmem>> -> memref<1x128xi32, #tpu.memory_space<vmem>>
        %dma_wait3A_42 = tpu.memref_squeeze %dma_wait3A_41 : memref<1x128xi32, #tpu.memory_space<vmem>> -> memref<128xi32, #tpu.memory_space<vmem>>
        %dma_wait3A_43 = arith.constant 0 : i32
        %dma_wait3A_44 = arith.constant 0 : i32
        %dma_wait3A_45 = tpu.memref_slice %arg10[%dma_wait3A_43, %dma_wait3A_44] : memref<100352x16xf32, #tpu.memory_space<vmem_shared>> -> memref<100352x16xf32, #tpu.memory_space<vmem_shared>>
        tpu.wait_indirect_dma semaphore(%run_scoped3A_33 : memref<!tpu.dma_semaphore, #tpu.memory_space<semaphore_mem>>) src(%arg9 : memref<128x16xf32, #tpu.memory_space<vmem>>) dst(%dma_wait3A_45 : memref<100352x16xf32, #tpu.memory_space<vmem_shared>>)
        tpu.yield
      }) : () -> ()
    }
    %scan3A_9 = arith.constant 391 : i32
    %barrier3A_10 = arith.constant 0 : index
    tpu.barrier barrier_id(%barrier3A_10)
    %mul3A_11 = arith.constant 6272 : i32
    %mul3A_12 = arith.muli %arg1, %mul3A_11 : i32
    %mul3A_13 = arith.constant 6272 : i32
    %mul3A_14 = arith.muli %arg1, %mul3A_13 : i32
    "tpu.region"() ({
      %run_scoped3A = tpu.sem_alloc : memref<!tpu.dma_semaphore, #tpu.memory_space<semaphore_mem>>
      %dma_start3A = arith.constant 0 : i32
      %dma_start3A_15 = tpu.memref_slice %arg6[%arg0, %mul3A_14, %dma_start3A] : memref<2x100352x16xf32, #tpu.memory_space<hbm>> -> memref<1x6272x16xf32, #tpu.memory_space<hbm>>
      %dma_start3A_16 = tpu.memref_squeeze %dma_start3A_15 : memref<1x6272x16xf32, #tpu.memory_space<hbm>> -> memref<6272x16xf32, #tpu.memory_space<hbm>>
      %dma_start3A_17 = arith.constant 0 : i32
      %dma_start3A_18 = tpu.memref_slice %arg10[%mul3A_12, %dma_start3A_17] : memref<100352x16xf32, #tpu.memory_space<vmem_shared>> -> memref<6272x16xf32, #tpu.memory_space<vmem_shared>>
      tpu.enqueue_dma source(%dma_start3A_18 : memref<6272x16xf32, #tpu.memory_space<vmem_shared>>) target(%dma_start3A_16 : memref<6272x16xf32, #tpu.memory_space<hbm>>) target_semaphore(%run_scoped3A : memref<!tpu.dma_semaphore, #tpu.memory_space<semaphore_mem>>)
      %dma_wait3A = arith.constant 0 : i32
      %dma_wait3A_19 = tpu.memref_slice %arg6[%arg0, %mul3A_14, %dma_wait3A] : memref<2x100352x16xf32, #tpu.memory_space<hbm>> -> memref<1x6272x16xf32, #tpu.memory_space<hbm>>
      %dma_wait3A_20 = tpu.memref_squeeze %dma_wait3A_19 : memref<1x6272x16xf32, #tpu.memory_space<hbm>> -> memref<6272x16xf32, #tpu.memory_space<hbm>>
      %dma_wait3A_21 = arith.constant 0 : i32
      %dma_wait3A_22 = tpu.memref_slice %arg10[%mul3A_12, %dma_wait3A_21] : memref<100352x16xf32, #tpu.memory_space<vmem_shared>> -> memref<6272x16xf32, #tpu.memory_space<vmem_shared>>
      tpu.wait_dma2 semaphore(%run_scoped3A : memref<!tpu.dma_semaphore, #tpu.memory_space<semaphore_mem>>) src(%dma_wait3A_22 : memref<6272x16xf32, #tpu.memory_space<vmem_shared>>) dst(%dma_wait3A_20 : memref<6272x16xf32, #tpu.memory_space<hbm>>)
      tpu.yield
    }) : () -> ()
    return
  }
}

#map = affine_map<(d0, d1) -> (0)>
#map1 = affine_map<(d0, d1) -> (0, 0)>
module attributes {stable_mosaic.version = 14 : i64} {
  func.func @_deg_kernel(%arg0: i32, %arg1: i32, %arg2: memref<1601536xi32, #tpu.memory_space<hbm>>, %arg3: memref<128xf32, #tpu.memory_space<hbm>>, %arg4: memref<6272xf32, #tpu.memory_space<hbm>>, %arg5: memref<2x100352xf32, #tpu.memory_space<hbm>>, %arg6: memref<4x128xi32, #tpu.memory_space<vmem>>, %arg7: memref<128xf32, #tpu.memory_space<vmem>>, %arg8: memref<100352xf32, #tpu.memory_space<vmem_shared>>) attributes {dimension_semantics = [#tpu.dimension_semantics<core_parallel>, #tpu.dimension_semantics<subcore_parallel>], iteration_bounds = array<i64: 2, 16>, scalar_prefetch = 0 : i64, scratch_operands = 3 : i64, tpu.core_type = #tpu.core_type<sc_vector_subcore>, window_params = [{transform_indices = #map}, {transform_indices = #map}, {transform_indices = #map}, {transform_indices = #map1}]} {
    %mul3A = arith.constant 2 : i32
    %mul3A_0 = arith.muli %arg1, %mul3A : i32
    %add3A = arith.addi %mul3A_0, %arg0 : i32
    %mul3A_1 = arith.constant 6272 : i32
    %mul3A_2 = arith.muli %arg1, %mul3A_1 : i32
    "tpu.region"() ({
      %run_scoped3A = tpu.sem_alloc : memref<!tpu.dma_semaphore, #tpu.memory_space<semaphore_mem>>
      %dma_start3A = tpu.memref_slice %arg8[%mul3A_2] : memref<100352xf32, #tpu.memory_space<vmem_shared>> -> memref<6272xf32, #tpu.memory_space<vmem_shared>>
      tpu.enqueue_dma source(%arg4 : memref<6272xf32, #tpu.memory_space<hbm>>) target(%dma_start3A : memref<6272xf32, #tpu.memory_space<vmem_shared>>) target_semaphore(%run_scoped3A : memref<!tpu.dma_semaphore, #tpu.memory_space<semaphore_mem>>)
      %dma_wait3A = tpu.memref_slice %arg8[%mul3A_2] : memref<100352xf32, #tpu.memory_space<vmem_shared>> -> memref<6272xf32, #tpu.memory_space<vmem_shared>>
      tpu.wait_dma2 semaphore(%run_scoped3A : memref<!tpu.dma_semaphore, #tpu.memory_space<semaphore_mem>>) src(%arg4 : memref<6272xf32, #tpu.memory_space<hbm>>) dst(%dma_wait3A : memref<6272xf32, #tpu.memory_space<vmem_shared>>)
      tpu.yield
    }) : () -> ()
    "tpu.region"() ({
      %run_scoped3A = tpu.sem_alloc : memref<!tpu.dma_semaphore, #tpu.memory_space<semaphore_mem>>
      tpu.enqueue_dma source(%arg3 : memref<128xf32, #tpu.memory_space<hbm>>) target(%arg7 : memref<128xf32, #tpu.memory_space<vmem>>) target_semaphore(%run_scoped3A : memref<!tpu.dma_semaphore, #tpu.memory_space<semaphore_mem>>)
      tpu.wait_dma2 semaphore(%run_scoped3A : memref<!tpu.dma_semaphore, #tpu.memory_space<semaphore_mem>>) src(%arg3 : memref<128xf32, #tpu.memory_space<hbm>>) dst(%arg7 : memref<128xf32, #tpu.memory_space<vmem>>)
      tpu.yield
    }) : () -> ()
    %barrier3A = arith.constant 0 : index
    tpu.barrier barrier_id(%barrier3A)
    %mul3A_3 = arith.constant 50048 : i32
    %mul3A_4 = arith.muli %add3A, %mul3A_3 : i32
    %scan3A = arith.constant 0 : i32
    %scan3A_5 = arith.constant 0 : i32
    %scan3A_6 = arith.constant 391 : i32
    %scan3A_7 = arith.addi %scan3A_5, %scan3A_6 : i32
    %scan3A_8 = arith.constant 1 : i32
    scf.for %scan3A_15 = %scan3A_5 to %scan3A_7 step %scan3A_8  : i32 {
      %mul3A_16 = arith.constant 128 : i32
      %mul3A_17 = arith.muli %scan3A_15, %mul3A_16 : i32
      %add3A_18 = arith.addi %mul3A_4, %mul3A_17 : i32
      %run_scoped3A = arith.constant 0 : i32
      "tpu.region"() ({
        %run_scoped3A_20 = tpu.sem_alloc : memref<!tpu.dma_semaphore, #tpu.memory_space<semaphore_mem>>
        %dma_start3A = arith.constant 0 : i32
        %dma_start3A_21 = tpu.memref_slice %arg6[%run_scoped3A, %dma_start3A] : memref<4x128xi32, #tpu.memory_space<vmem>> -> memref<1x128xi32, #tpu.memory_space<vmem>>
        %dma_start3A_22 = tpu.memref_squeeze %dma_start3A_21 : memref<1x128xi32, #tpu.memory_space<vmem>> -> memref<128xi32, #tpu.memory_space<vmem>>
        %dma_start3A_23 = tpu.memref_slice %arg2[%add3A_18] : memref<1601536xi32, #tpu.memory_space<hbm>> -> memref<128xi32, #tpu.memory_space<hbm>>
        %dma_start3A_24 = arith.constant 0 : i32
        %dma_start3A_25 = tpu.memref_slice %arg6[%run_scoped3A, %dma_start3A_24] : memref<4x128xi32, #tpu.memory_space<vmem>> -> memref<1x128xi32, #tpu.memory_space<vmem>>
        %dma_start3A_26 = tpu.memref_squeeze %dma_start3A_25 : memref<1x128xi32, #tpu.memory_space<vmem>> -> memref<128xi32, #tpu.memory_space<vmem>>
        %dma_start3A_27 = tpu.memref_slice %arg2[%add3A_18] : memref<1601536xi32, #tpu.memory_space<hbm>> -> memref<128xi32, #tpu.memory_space<hbm>>
        tpu.enqueue_dma source(%dma_start3A_27 : memref<128xi32, #tpu.memory_space<hbm>>) target(%dma_start3A_26 : memref<128xi32, #tpu.memory_space<vmem>>) target_semaphore(%run_scoped3A_20 : memref<!tpu.dma_semaphore, #tpu.memory_space<semaphore_mem>>)
        %dma_wait3A = arith.constant 0 : i32
        %dma_wait3A_28 = tpu.memref_slice %arg6[%run_scoped3A, %dma_wait3A] : memref<4x128xi32, #tpu.memory_space<vmem>> -> memref<1x128xi32, #tpu.memory_space<vmem>>
        %dma_wait3A_29 = tpu.memref_squeeze %dma_wait3A_28 : memref<1x128xi32, #tpu.memory_space<vmem>> -> memref<128xi32, #tpu.memory_space<vmem>>
        %dma_wait3A_30 = tpu.memref_slice %arg2[%add3A_18] : memref<1601536xi32, #tpu.memory_space<hbm>> -> memref<128xi32, #tpu.memory_space<hbm>>
        %dma_wait3A_31 = arith.constant 0 : i32
        %dma_wait3A_32 = tpu.memref_slice %arg6[%run_scoped3A, %dma_wait3A_31] : memref<4x128xi32, #tpu.memory_space<vmem>> -> memref<1x128xi32, #tpu.memory_space<vmem>>
        %dma_wait3A_33 = tpu.memref_squeeze %dma_wait3A_32 : memref<1x128xi32, #tpu.memory_space<vmem>> -> memref<128xi32, #tpu.memory_space<vmem>>
        %dma_wait3A_34 = tpu.memref_slice %arg2[%add3A_18] : memref<1601536xi32, #tpu.memory_space<hbm>> -> memref<128xi32, #tpu.memory_space<hbm>>
        tpu.wait_dma2 semaphore(%run_scoped3A_20 : memref<!tpu.dma_semaphore, #tpu.memory_space<semaphore_mem>>) src(%dma_wait3A_34 : memref<128xi32, #tpu.memory_space<hbm>>) dst(%dma_wait3A_33 : memref<128xi32, #tpu.memory_space<vmem>>)
        tpu.yield
      }) : () -> ()
      %run_scoped3A_19 = arith.constant 0 : i32
      "tpu.region"() ({
        %run_scoped3A_20 = tpu.sem_alloc : memref<!tpu.dma_semaphore, #tpu.memory_space<semaphore_mem>>
        %dma_start3A = arith.constant 0 : i32
        %dma_start3A_21 = tpu.memref_slice %arg6[%run_scoped3A_19, %dma_start3A] : memref<4x128xi32, #tpu.memory_space<vmem>> -> memref<1x128xi32, #tpu.memory_space<vmem>>
        %dma_start3A_22 = tpu.memref_squeeze %dma_start3A_21 : memref<1x128xi32, #tpu.memory_space<vmem>> -> memref<128xi32, #tpu.memory_space<vmem>>
        %dma_start3A_23 = arith.constant 0 : i32
        %dma_start3A_24 = tpu.memref_slice %arg8[%dma_start3A_23] : memref<100352xf32, #tpu.memory_space<vmem_shared>> -> memref<100352xf32, #tpu.memory_space<vmem_shared>>
        tpu.enqueue_indirect_dma source(%arg7 : memref<128xf32, #tpu.memory_space<vmem>>) target(%dma_start3A_24 : memref<100352xf32, #tpu.memory_space<vmem_shared>>) offsets(%dma_start3A_22 : memref<128xi32, #tpu.memory_space<vmem>>) semaphore(%run_scoped3A_20 : memref<!tpu.dma_semaphore, #tpu.memory_space<semaphore_mem>>) {add = true}
        %dma_wait3A = arith.constant 0 : i32
        %dma_wait3A_25 = tpu.memref_slice %arg6[%run_scoped3A_19, %dma_wait3A] : memref<4x128xi32, #tpu.memory_space<vmem>> -> memref<1x128xi32, #tpu.memory_space<vmem>>
        %dma_wait3A_26 = tpu.memref_squeeze %dma_wait3A_25 : memref<1x128xi32, #tpu.memory_space<vmem>> -> memref<128xi32, #tpu.memory_space<vmem>>
        %dma_wait3A_27 = arith.constant 0 : i32
        %dma_wait3A_28 = tpu.memref_slice %arg8[%dma_wait3A_27] : memref<100352xf32, #tpu.memory_space<vmem_shared>> -> memref<100352xf32, #tpu.memory_space<vmem_shared>>
        tpu.wait_indirect_dma semaphore(%run_scoped3A_20 : memref<!tpu.dma_semaphore, #tpu.memory_space<semaphore_mem>>) src(%arg7 : memref<128xf32, #tpu.memory_space<vmem>>) dst(%dma_wait3A_28 : memref<100352xf32, #tpu.memory_space<vmem_shared>>)
        tpu.yield
      }) : () -> ()
    }
    %scan3A_9 = arith.constant 391 : i32
    %barrier3A_10 = arith.constant 0 : index
    tpu.barrier barrier_id(%barrier3A_10)
    %mul3A_11 = arith.constant 6272 : i32
    %mul3A_12 = arith.muli %arg1, %mul3A_11 : i32
    %mul3A_13 = arith.constant 6272 : i32
    %mul3A_14 = arith.muli %arg1, %mul3A_13 : i32
    "tpu.region"() ({
      %run_scoped3A = tpu.sem_alloc : memref<!tpu.dma_semaphore, #tpu.memory_space<semaphore_mem>>
      %dma_start3A = tpu.memref_slice %arg5[%arg0, %mul3A_14] : memref<2x100352xf32, #tpu.memory_space<hbm>> -> memref<1x6272xf32, #tpu.memory_space<hbm>>
      %dma_start3A_15 = tpu.memref_squeeze %dma_start3A : memref<1x6272xf32, #tpu.memory_space<hbm>> -> memref<6272xf32, #tpu.memory_space<hbm>>
      %dma_start3A_16 = tpu.memref_slice %arg8[%mul3A_12] : memref<100352xf32, #tpu.memory_space<vmem_shared>> -> memref<6272xf32, #tpu.memory_space<vmem_shared>>
      tpu.enqueue_dma source(%dma_start3A_16 : memref<6272xf32, #tpu.memory_space<vmem_shared>>) target(%dma_start3A_15 : memref<6272xf32, #tpu.memory_space<hbm>>) target_semaphore(%run_scoped3A : memref<!tpu.dma_semaphore, #tpu.memory_space<semaphore_mem>>)
      %dma_wait3A = tpu.memref_slice %arg5[%arg0, %mul3A_14] : memref<2x100352xf32, #tpu.memory_space<hbm>> -> memref<1x6272xf32, #tpu.memory_space<hbm>>
      %dma_wait3A_17 = tpu.memref_squeeze %dma_wait3A : memref<1x6272xf32, #tpu.memory_space<hbm>> -> memref<6272xf32, #tpu.memory_space<hbm>>
      %dma_wait3A_18 = tpu.memref_slice %arg8[%mul3A_12] : memref<100352xf32, #tpu.memory_space<vmem_shared>> -> memref<6272xf32, #tpu.memory_space<vmem_shared>>
      tpu.wait_dma2 semaphore(%run_scoped3A : memref<!tpu.dma_semaphore, #tpu.memory_space<semaphore_mem>>) src(%dma_wait3A_18 : memref<6272xf32, #tpu.memory_space<vmem_shared>>) dst(%dma_wait3A_17 : memref<6272xf32, #tpu.memory_space<hbm>>)
      tpu.yield
    }) : () -> ()
    return
  }
}

module attributes {stable_mosaic.version = 14 : i64} {
  func.func @_prep_body(%arg0: i32, %arg1: memref<2x2048x1xf32, #tpu.memory_space<vmem>>, %arg2: memref<2048x16xf32, #tpu.memory_space<vmem>>, %arg3: memref<2048x1xf32, #tpu.memory_space<vmem>>, %arg4: memref<2048x16xf32, #tpu.memory_space<vmem>>) attributes {dimension_semantics = [#tpu.dimension_semantics<arbitrary>], iteration_bounds = array<i64: 49>, scalar_prefetch = 0 : i64, scratch_operands = 0 : i64, tpu.core_type = #tpu.core_type<tc>, window_params = [{transform_indices = @transform_0, window_bounds = array<i64: 2, 2048, 1>}, {transform_indices = @transform_1, window_bounds = array<i64: 2048, 16>}, {transform_indices = @transform_2, window_bounds = array<i64: 2048, 1>}, {transform_indices = @transform_3, window_bounds = array<i64: 2048, 16>}]} {
    %get3A = arith.constant 0 : index
    %get3A_0 = arith.constant 0 : index
    %get3A_1 = arith.constant 0 : index
    %get3A_2 = vector.load %arg1[%get3A, %get3A_0, %get3A_1] : memref<2x2048x1xf32, #tpu.memory_space<vmem>>, vector<1x2048x1xf32>
    %get3A_3 = vector.shape_cast %get3A_2 : vector<1x2048x1xf32> to vector<2048x1xf32>
    %get3A_4 = arith.constant 1 : index
    %get3A_5 = arith.constant 0 : index
    %get3A_6 = arith.constant 0 : index
    %get3A_7 = vector.load %arg1[%get3A_4, %get3A_5, %get3A_6] : memref<2x2048x1xf32, #tpu.memory_space<vmem>>, vector<1x2048x1xf32>
    %get3A_8 = vector.shape_cast %get3A_7 : vector<1x2048x1xf32> to vector<2048x1xf32>
    %add3A = arith.addf %get3A_3, %get3A_8 : vector<2048x1xf32>
    %gt3A = arith.constant 0.000000e+00 : f32
    %gt3A_9 = vector.broadcast %gt3A : f32 to vector<2048x1xf32>
    %gt3A_10 = arith.cmpf ogt, %add3A, %gt3A_9 : vector<2048x1xf32>
    %max3A = arith.constant 9.99999996E-13 : f32
    %max3A_11 = vector.broadcast %max3A : f32 to vector<2048x1xf32>
    %max3A_12 = arith.maximumf %add3A, %max3A_11 : vector<2048x1xf32>
    %rsqrt3A = math.rsqrt %max3A_12 : vector<2048x1xf32>
    %jit3A = arith.constant 0.000000e+00 : f32
    %broadcast_in_dim3A = vector.broadcast %jit3A : f32 to vector<2048x1xf32>
    %select_n3A = arith.select %gt3A_10, %rsqrt3A, %broadcast_in_dim3A : vector<2048x1xi1>, vector<2048x1xf32>
    %swap3A = arith.constant 0 : index
    %swap3A_13 = arith.constant 0 : index
    %swap3A_14 = vector.load %arg3[%swap3A, %swap3A_13] : memref<2048x1xf32, #tpu.memory_space<vmem>>, vector<2048x1xf32>
    tpu.vector_store %arg3[%swap3A, %swap3A_13], %select_n3A {strides = array<i32>} : memref<2048x1xf32, #tpu.memory_space<vmem>>, vector<2048x1xf32>,
    %get3A_15 = arith.constant 0 : index
    %get3A_16 = arith.constant 0 : index
    %get3A_17 = vector.load %arg2[%get3A_15, %get3A_16] : memref<2048x16xf32, #tpu.memory_space<vmem>>, vector<2048x16xf32>
    %mul3A = vector.broadcast %select_n3A : vector<2048x1xf32> to vector<2048x16xf32>
    %mul3A_18 = arith.mulf %get3A_17, %mul3A : vector<2048x16xf32>
    %swap3A_19 = arith.constant 0 : index
    %swap3A_20 = arith.constant 0 : index
    %swap3A_21 = vector.load %arg4[%swap3A_19, %swap3A_20] : memref<2048x16xf32, #tpu.memory_space<vmem>>, vector<2048x16xf32>
    tpu.vector_store %arg4[%swap3A_19, %swap3A_20], %mul3A_18 {strides = array<i32>} : memref<2048x16xf32, #tpu.memory_space<vmem>>, vector<2048x16xf32>,
    return
  }
  func.func @transform_0(%arg0: i32) -> (i32, i32, i32) {
    %c0_i32 = arith.constant 0 : i32
    %c0_i32_0 = arith.constant 0 : i32
    %c0_i32_1 = arith.constant 0 : i32
    return %c0_i32, %arg0, %c0_i32_0 : i32, i32, i32
  }
  func.func @transform_1(%arg0: i32) -> (i32, i32) {
    %c0_i32 = arith.constant 0 : i32
    %c0_i32_0 = arith.constant 0 : i32
    return %arg0, %c0_i32 : i32, i32
  }
  func.func @transform_2(%arg0: i32) -> (i32, i32) {
    %c0_i32 = arith.constant 0 : i32
    %c0_i32_0 = arith.constant 0 : i32
    return %arg0, %c0_i32 : i32, i32
  }
  func.func @transform_3(%arg0: i32) -> (i32, i32) {
    %c0_i32 = arith.constant 0 : i32
    %c0_i32_0 = arith.constant 0 : i32
    return %arg0, %c0_i32 : i32, i32
  }
}

module attributes {stable_mosaic.version = 14 : i64} {
  func.func @_final_body(%arg0: i32, %arg1: memref<2x2048x16xf32, #tpu.memory_space<vmem>>, %arg2: memref<2048x1xf32, #tpu.memory_space<vmem>>, %arg3: memref<1x1x2048xi32, #tpu.memory_space<vmem>>, %arg4: memref<16x64xf32, #tpu.memory_space<vmem>>, %arg5: memref<1x64xf32, #tpu.memory_space<vmem>>, %arg6: memref<64x19xf32, #tpu.memory_space<vmem>>, %arg7: memref<1x19xf32, #tpu.memory_space<vmem>>, %arg8: memref<128x19xf32, #tpu.memory_space<vmem>>, %arg9: memref<128x64xf32, #tpu.memory_space<vmem>>, %arg10: memref<128x1xf32, #tpu.memory_space<vmem>>) attributes {dimension_semantics = [#tpu.dimension_semantics<arbitrary>], iteration_bounds = array<i64: 49>, scalar_prefetch = 0 : i64, scratch_operands = 2 : i64, tpu.core_type = #tpu.core_type<tc>, window_params = [{transform_indices = @transform_0, window_bounds = array<i64: 2, 2048, 16>}, {transform_indices = @transform_1, window_bounds = array<i64: 2048, 1>}, {transform_indices = @transform_2, window_bounds = array<i64: 1, 1, 2048>}, {pipeline_mode = #tpu.pipeline_mode<synchronous>, transform_indices = @transform_3, window_bounds = array<i64: 16, 64>}, {pipeline_mode = #tpu.pipeline_mode<synchronous>, transform_indices = @transform_4, window_bounds = array<i64: 1, 64>}, {pipeline_mode = #tpu.pipeline_mode<synchronous>, transform_indices = @transform_5, window_bounds = array<i64: 64, 19>}, {pipeline_mode = #tpu.pipeline_mode<synchronous>, transform_indices = @transform_6, window_bounds = array<i64: 1, 19>}, {pipeline_mode = #tpu.pipeline_mode<synchronous>, transform_indices = @transform_7, window_bounds = array<i64: 128, 19>}]} {
    %eq3A = arith.constant 0 : i32
    %eq3A_0 = arith.cmpi eq, %arg0, %eq3A : i32
    %convert_element_type3A = arith.extui %eq3A_0 : i1 to i32
    %cond3A = arith.constant 0 : i32
    %cond3A_1 = arith.cmpi ne, %convert_element_type3A, %cond3A : i32
    scf.if %cond3A_1 {
      %broadcast_in_dim3A_57 = arith.constant 0.000000e+00 : f32
      %broadcast_in_dim3A_58 = vector.broadcast %broadcast_in_dim3A_57 : f32 to vector<128x64xf32>
      %swap3A_59 = arith.constant 0 : index
      %swap3A_60 = arith.constant 0 : index
      %swap3A_61 = vector.load %arg9[%swap3A_59, %swap3A_60] : memref<128x64xf32, #tpu.memory_space<vmem>>, vector<128x64xf32>
      tpu.vector_store %arg9[%swap3A_59, %swap3A_60], %broadcast_in_dim3A_58 {strides = array<i32>} : memref<128x64xf32, #tpu.memory_space<vmem>>, vector<128x64xf32>,
      %broadcast_in_dim3A_62 = arith.constant 0.000000e+00 : f32
      %broadcast_in_dim3A_63 = vector.broadcast %broadcast_in_dim3A_62 : f32 to vector<128x1xf32>
      %swap3A_64 = arith.constant 0 : index
      %swap3A_65 = arith.constant 0 : index
      %swap3A_66 = vector.load %arg10[%swap3A_64, %swap3A_65] : memref<128x1xf32, #tpu.memory_space<vmem>>, vector<128x1xf32>
      tpu.vector_store %arg10[%swap3A_64, %swap3A_65], %broadcast_in_dim3A_63 {strides = array<i32>} : memref<128x1xf32, #tpu.memory_space<vmem>>, vector<128x1xf32>,
    } else {
    }
    %get3A = arith.constant 0 : index
    %get3A_2 = arith.constant 0 : index
    %get3A_3 = arith.constant 0 : index
    %get3A_4 = vector.load %arg1[%get3A, %get3A_2, %get3A_3] : memref<2x2048x16xf32, #tpu.memory_space<vmem>>, vector<1x2048x16xf32>
    %get3A_5 = vector.shape_cast %get3A_4 : vector<1x2048x16xf32> to vector<2048x16xf32>
    %get3A_6 = arith.constant 1 : index
    %get3A_7 = arith.constant 0 : index
    %get3A_8 = arith.constant 0 : index
    %get3A_9 = vector.load %arg1[%get3A_6, %get3A_7, %get3A_8] : memref<2x2048x16xf32, #tpu.memory_space<vmem>>, vector<1x2048x16xf32>
    %get3A_10 = vector.shape_cast %get3A_9 : vector<1x2048x16xf32> to vector<2048x16xf32>
    %add3A = arith.addf %get3A_5, %get3A_10 : vector<2048x16xf32>
    %get3A_11 = arith.constant 0 : index
    %get3A_12 = arith.constant 0 : index
    %get3A_13 = vector.load %arg2[%get3A_11, %get3A_12] : memref<2048x1xf32, #tpu.memory_space<vmem>>, vector<2048x1xf32>
    %mul3A = vector.broadcast %get3A_13 : vector<2048x1xf32> to vector<2048x16xf32>
    %mul3A_14 = arith.mulf %add3A, %mul3A : vector<2048x16xf32>
    %get3A_15 = arith.constant 0 : index
    %get3A_16 = arith.constant 0 : index
    %get3A_17 = vector.load %arg4[%get3A_15, %get3A_16] : memref<16x64xf32, #tpu.memory_space<vmem>>, vector<16x64xf32>
    %dot_general3A = arith.constant dense<0.000000e+00> : vector<2048x64xf32>
    %dot_general3A_18 = tpu.matmul %mul3A_14, %get3A_17, %dot_general3A {dimension_numbers = #tpu.dot_dimension_numbers<[1], [0], [0], [1], [0, 0, 1, 1], [], []>, transpose_lhs_hint = false} : vector<2048x16xf32>, vector<16x64xf32>, vector<2048x64xf32> -> vector<2048x64xf32>
    %get3A_19 = arith.constant 0 : index
    %get3A_20 = arith.constant 0 : index
    %get3A_21 = vector.load %arg5[%get3A_19, %get3A_20] : memref<1x64xf32, #tpu.memory_space<vmem>>, vector<1x64xf32>
    %add3A_22 = vector.broadcast %get3A_21 : vector<1x64xf32> to vector<2048x64xf32>
    %add3A_23 = arith.addf %dot_general3A_18, %add3A_22 : vector<2048x64xf32>
    %max3A = arith.constant 0.000000e+00 : f32
    %max3A_24 = vector.broadcast %max3A : f32 to vector<2048x64xf32>
    %max3A_25 = arith.maximumf %add3A_23, %max3A_24 : vector<2048x64xf32>
    %iota3A = tpu.iota {dimensions = array<i32: 0>} : vector<128x2048xi32>
    %get3A_26 = arith.constant 0 : index
    %get3A_27 = arith.constant 0 : index
    %get3A_28 = arith.constant 0 : index
    %get3A_29 = vector.load %arg3[%get3A_26, %get3A_27, %get3A_28] : memref<1x1x2048xi32, #tpu.memory_space<vmem>>, vector<1x1x2048xi32>
    %get3A_30 = vector.shape_cast %get3A_29 : vector<1x1x2048xi32> to vector<2048xi32>
    %broadcast_in_dim3A = vector.shape_cast %get3A_30 : vector<2048xi32> to vector<1x2048xi32>
    %eq3A_31 = vector.broadcast %broadcast_in_dim3A : vector<1x2048xi32> to vector<128x2048xi32>
    %eq3A_32 = arith.cmpi eq, %eq3A_31, %iota3A : vector<128x2048xi32>
    %convert_element_type3A_33 = arith.extui %eq3A_32 : vector<128x2048xi1> to vector<128x2048xi32>
    %convert_element_type3A_34 = arith.sitofp %convert_element_type3A_33 : vector<128x2048xi32> to vector<128x2048xf32>
    %get3A_35 = arith.constant 0 : index
    %get3A_36 = arith.constant 0 : index
    %get3A_37 = vector.load %arg9[%get3A_35, %get3A_36] : memref<128x64xf32, #tpu.memory_space<vmem>>, vector<128x64xf32>
    %dot_general3A_38 = arith.constant dense<0.000000e+00> : vector<128x64xf32>
    %dot_general3A_39 = tpu.matmul %convert_element_type3A_34, %max3A_25, %dot_general3A_38 {dimension_numbers = #tpu.dot_dimension_numbers<[1], [0], [0], [1], [0, 0, 1, 1], [], []>, transpose_lhs_hint = false} : vector<128x2048xf32>, vector<2048x64xf32>, vector<128x64xf32> -> vector<128x64xf32>
    %add3A_40 = arith.addf %get3A_37, %dot_general3A_39 : vector<128x64xf32>
    %swap3A = arith.constant 0 : index
    %swap3A_41 = arith.constant 0 : index
    %swap3A_42 = vector.load %arg9[%swap3A, %swap3A_41] : memref<128x64xf32, #tpu.memory_space<vmem>>, vector<128x64xf32>
    tpu.vector_store %arg9[%swap3A, %swap3A_41], %add3A_40 {strides = array<i32>} : memref<128x64xf32, #tpu.memory_space<vmem>>, vector<128x64xf32>,
    %get3A_43 = arith.constant 0 : index
    %get3A_44 = arith.constant 0 : index
    %get3A_45 = vector.load %arg10[%get3A_43, %get3A_44] : memref<128x1xf32, #tpu.memory_space<vmem>>, vector<128x1xf32>
    %reduce_sum3A = arith.constant dense<0.000000e+00> : vector<128xf32>
    %reduce_sum3A_46 = vector.multi_reduction <add>, %convert_element_type3A_34, %reduce_sum3A [1] : vector<128x2048xf32> to vector<128xf32>
    %broadcast_in_dim3A_47 = vector.shape_cast %reduce_sum3A_46 : vector<128xf32> to vector<128x1xf32>
    %add3A_48 = arith.addf %get3A_45, %broadcast_in_dim3A_47 : vector<128x1xf32>
    %swap3A_49 = arith.constant 0 : index
    %swap3A_50 = arith.constant 0 : index
    %swap3A_51 = vector.load %arg10[%swap3A_49, %swap3A_50] : memref<128x1xf32, #tpu.memory_space<vmem>>, vector<128x1xf32>
    tpu.vector_store %arg10[%swap3A_49, %swap3A_50], %add3A_48 {strides = array<i32>} : memref<128x1xf32, #tpu.memory_space<vmem>>, vector<128x1xf32>,
    %eq3A_52 = arith.constant 48 : i32
    %eq3A_53 = arith.cmpi eq, %arg0, %eq3A_52 : i32
    %convert_element_type3A_54 = arith.extui %eq3A_53 : i1 to i32
    %cond3A_55 = arith.constant 0 : i32
    %cond3A_56 = arith.cmpi ne, %convert_element_type3A_54, %cond3A_55 : i32
    scf.if %cond3A_56 {
      %get3A_57 = arith.constant 0 : index
      %get3A_58 = arith.constant 0 : index
      %get3A_59 = vector.load %arg9[%get3A_57, %get3A_58] : memref<128x64xf32, #tpu.memory_space<vmem>>, vector<128x64xf32>
      %get3A_60 = arith.constant 0 : index
      %get3A_61 = arith.constant 0 : index
      %get3A_62 = vector.load %arg10[%get3A_60, %get3A_61] : memref<128x1xf32, #tpu.memory_space<vmem>>, vector<128x1xf32>
      %max3A_63 = arith.constant 1.000000e+00 : f32
      %max3A_64 = vector.broadcast %max3A_63 : f32 to vector<128x1xf32>
      %max3A_65 = arith.maximumf %get3A_62, %max3A_64 : vector<128x1xf32>
      %div3A = vector.broadcast %max3A_65 : vector<128x1xf32> to vector<128x64xf32>
      %div3A_66 = arith.divf %get3A_59, %div3A : vector<128x64xf32>
      %get3A_67 = arith.constant 0 : index
      %get3A_68 = arith.constant 0 : index
      %get3A_69 = vector.load %arg6[%get3A_67, %get3A_68] : memref<64x19xf32, #tpu.memory_space<vmem>>, vector<64x19xf32>
      %dot_general3A_70 = arith.constant dense<0.000000e+00> : vector<128x19xf32>
      %dot_general3A_71 = tpu.matmul %div3A_66, %get3A_69, %dot_general3A_70 {dimension_numbers = #tpu.dot_dimension_numbers<[1], [0], [0], [1], [0, 0, 1, 1], [], []>, transpose_lhs_hint = false} : vector<128x64xf32>, vector<64x19xf32>, vector<128x19xf32> -> vector<128x19xf32>
      %get3A_72 = arith.constant 0 : index
      %get3A_73 = arith.constant 0 : index
      %get3A_74 = vector.load %arg7[%get3A_72, %get3A_73] : memref<1x19xf32, #tpu.memory_space<vmem>>, vector<1x19xf32>
      %add3A_75 = vector.broadcast %get3A_74 : vector<1x19xf32> to vector<128x19xf32>
      %add3A_76 = arith.addf %dot_general3A_71, %add3A_75 : vector<128x19xf32>
      %swap3A_77 = arith.constant 0 : index
      %swap3A_78 = arith.constant 0 : index
      %swap3A_79 = vector.load %arg8[%swap3A_77, %swap3A_78] : memref<128x19xf32, #tpu.memory_space<vmem>>, vector<128x19xf32>
      tpu.vector_store %arg8[%swap3A_77, %swap3A_78], %add3A_76 {strides = array<i32>} : memref<128x19xf32, #tpu.memory_space<vmem>>, vector<128x19xf32>,
    } else {
    }
    return
  }
  func.func @transform_0(%arg0: i32) -> (i32, i32, i32) {
    %c0_i32 = arith.constant 0 : i32
    %c0_i32_0 = arith.constant 0 : i32
    %c0_i32_1 = arith.constant 0 : i32
    return %c0_i32, %arg0, %c0_i32_0 : i32, i32, i32
  }
  func.func @transform_1(%arg0: i32) -> (i32, i32) {
    %c0_i32 = arith.constant 0 : i32
    %c0_i32_0 = arith.constant 0 : i32
    return %arg0, %c0_i32 : i32, i32
  }
  func.func @transform_2(%arg0: i32) -> (i32, i32, i32) {
    %c0_i32 = arith.constant 0 : i32
    %c0_i32_0 = arith.constant 0 : i32
    %c0_i32_1 = arith.constant 0 : i32
    return %arg0, %c0_i32, %c0_i32_0 : i32, i32, i32
  }
  func.func @transform_3(%arg0: i32) -> (i32, i32) {
    %c0_i32 = arith.constant 0 : i32
    %c0_i32_0 = arith.constant 0 : i32
    %c0_i32_1 = arith.constant 0 : i32
    return %c0_i32, %c0_i32_0 : i32, i32
  }
  func.func @transform_4(%arg0: i32) -> (i32, i32) {
    %c0_i32 = arith.constant 0 : i32
    %c0_i32_0 = arith.constant 0 : i32
    %c0_i32_1 = arith.constant 0 : i32
    return %c0_i32, %c0_i32_0 : i32, i32
  }
  func.func @transform_5(%arg0: i32) -> (i32, i32) {
    %c0_i32 = arith.constant 0 : i32
    %c0_i32_0 = arith.constant 0 : i32
    %c0_i32_1 = arith.constant 0 : i32
    return %c0_i32, %c0_i32_0 : i32, i32
  }
  func.func @transform_6(%arg0: i32) -> (i32, i32) {
    %c0_i32 = arith.constant 0 : i32
    %c0_i32_0 = arith.constant 0 : i32
    %c0_i32_1 = arith.constant 0 : i32
    return %c0_i32, %c0_i32_0 : i32, i32
  }
  func.func @transform_7(%arg0: i32) -> (i32, i32) {
    %c0_i32 = arith.constant 0 : i32
    %c0_i32_0 = arith.constant 0 : i32
    %c0_i32_1 = arith.constant 0 : i32
    return %c0_i32, %c0_i32_0 : i32, i32
  }
}

</mosaic_0001>

<sc_bundles>
// kernel: kernel.6.cloned.1.call-start
scs
__scs_entry_jumppad:
0x0: {  	(pc) =	sbr.rel $0x88, $3  }
0x1: {  	(tag) =	ssettag $0x0;
	lr =	simm.s32 $0x1  }
0x2: {  	[smem:$0x3F9A] =	sst lr;
	_ =	strace $0xD0000000  }
0x3: {  	_ = 	snop  }
0x4: {  	_ = 	snop  }
0x5: {  	_ = 	snop  }
0x6: {  	_ = 	snop  }
0x7: {  	_ = 	snop  }
__scs_overlays_trampoline_lowered:
0x8: {  	[smem:$0x3FA9] =	sst s0  }
0x9: {  	[smem:$0x3FAA] =	sst s1  }
0xa: {  	[smem:$0x3FAB] =	sst s2  }
0xb: {  	[smem:$0x3FAC] =	sst s3  }
0xc: {  	[smem:$0x3FAD] =	sst s4  }
0xd: {  	[smem:$0x3FAE] =	sst s5  }
0xe: {  	[smem:$0x3FAF] =	sst s6  }
0xf: {  	[smem:$0x3FB0] =	sst s7  }
0x10: {  	[smem:$0x3FB1] =	sst s8  }
0x11: {  	[smem:$0x3FB2] =	sst s9;
	s0 =	simm.s32 @!p0 $0x0  }
0x12: {  	s1 =	sld [smem:$0x3F98];
	s0 =	simm.s32 @p0 $0x1  }
0x13: {  	[smem:$0x3FB3] =	sst s0;
	s0 =	simm.s32 @!p1 $0x0  }
0x14: {  	s2 =	sld [smem:$0x3F97];
	s0 =	simm.s32 @p1 $0x1  }
0x15: {  	[smem:$0x3FB4] =	sst s0;
	s0 =	simm.s32 @!p2 $0x0  }
0x16: {  	s3 =	sld [smem:$0x3FDB];
	s0 =	simm.s32 @p2 $0x1  }
0x17: {  	s4 =	simm.s32 $0x1BF5;
	[smem:$0x3FB6] =	sst s0  }
0x18: {  	s0 =	sld [smem:$0x3F99];
	_ =	swait.ge [sflag:s4], $0x0  }
0x19: {  	s7 =	sld [smem:$0x3F9A]  }
0x1a: {  	s8 =	sadd.s32 $0xFFFFE003, lr  }
0x1b: {  	s9 =	sadd.s32 $0xFFFFFEF7, lr;
	s5 =	simm.s32 $0xFFFFFFFF;
	p2 =	slt.u32 s8, $0xFFFFF086  }
0x1c: {  	p1 =	slt.u32 s9, $0xF7A;
	s5 =	simm.s32 @!p2 $0x0  }
0x1d: {  	s5 =	simm.s32 @p1 $0x1;
	p0 =	seq.s32 s7, s2  }
0x1e: {  	s7 =	smul.u32 @!p0 $0xF7A, s2;
	p2 =	seq.s32 @!p0 s5, $0x0  }
0x1f: {  	s9 =	smul.u32 $0xF7A, s1;
	s8 =	simm.s32 @!p0 $0x1BF5;
	p2 =	por !p2, p0  }
0x20: {  	[sflag:s8] =	ssyncset.s32 @!p0 $0xFFFFF086;
	s6 =	sadd.s32 @!p0 s3, s7;
	s7 =	simm.s32 @!p0 $0x108  }
0x21: {  	s3 =	sadd.s32 s3, s9;
	s6 =	sadd.s32 @!p0 $0x88, s6;
	s7 =	simm.s32 @p2 $0x1082  }
0x22: {  	[simem:s7], [sflag:s8] =	dma.local @!p0 [hbm:s6], $0xF7A  }
0x23: {  	s9 =	sor.u32 $0xD0000000, s2;
	s6 =	simm.s32 $0x108;
	_ =	swait.ge @!p0 [sflag:s8], $0x0  }
0x24: {  	s3 =	sadd.s32 $0x88, s3;
	s6 =	simm.s32 @!p1 $0x1082;
	[sflag:s4] =	ssyncset.s32 $0xFFFFF086  }
0x25: {  	[simem:s6], [sflag:s4] =	dma.local [hbm:s3], $0xF7A  }
0x26: {  	[smem:$0x3F9A] =	sst s1;
	(tag) =	ssettag s2;
	_ =	strace s9  }
0x27: {  	s1 =	sld [smem:$0x3FAA]  }
0x28: {  	s2 =	sld [smem:$0x3FAB]  }
0x29: {  	s4 =	sld [smem:$0x3FAD]  }
0x2a: {  	p0 =	seq.s32 s5, $0x0;
	s5 =	sld [smem:$0x3FAE]  }
0x2b: {  	s6 =	sld [smem:$0x3FAF]  }
0x2c: {  	s7 =	sld [smem:$0x3FB0]  }
0x2d: {  	s3 =	simm.s32 $0x108;
	s8 =	sld [smem:$0x3FB1]  }
0x2e: {  	s3 =	simm.s32 @!p0 $0x1082;
	s9 =	sld [smem:$0x3FB2]  }
0x2f: {  	lr =	sadd.s32 s0, s3;
	s0 =	sld [smem:$0x3FA9]  }
0x30: {  	s3 =	sld [smem:$0x3FAC]  }
0x31: {  	[smem:$0x3FB5] =	sst s10  }
0x32: {  	s10 =	sld [smem:$0x3FB3];
	_ =	sdelay $0x3  }
0x33: {  	p0 =	seq.s32 s10, $0x1;
	s10 =	sld [smem:$0x3FB5];
	_ =	sdelay $0x3  }
0x34: {  	[smem:$0x3FB5] =	sst s10  }
0x35: {  	s10 =	sld [smem:$0x3FB4];
	_ =	sdelay $0x3  }
0x36: {  	p1 =	seq.s32 s10, $0x1;
	s10 =	sld [smem:$0x3FB5];
	_ =	sdelay $0x3  }
0x37: {  	[smem:$0x3FB5] =	sst s10  }
0x38: {  	s10 =	sld [smem:$0x3FB6]  }
0x39: {  	_ = 	snop;
	(pc) =	sbr.ind lr, $3  }
0x3a: {  	_ = 	snop  }
0x3b: {  	_ = 	snop  }
0x3c: {  	p2 =	seq.s32 s10, $0x1;
	s10 =	sld [smem:$0x3FB5]  }
0x3d: {  	_ =	shalt  }
0x3e: {  	_ =	shalt  }
0x3f: {  	_ =	shalt  }
0x40: {  	_ =	shalt  }
0x41: {  	_ =	shalt  }
0x42: {  	_ =	shalt  }
0x43: {  	_ =	shalt  }
0x44: {  	_ =	shalt  }
0x45: {  	_ =	shalt  }
0x46: {  	_ =	shalt  }
0x47: {  	_ =	shalt  }
0x48: {  	_ =	shalt  }
0x49: {  	_ =	shalt  }
0x4a: {  	_ =	shalt  }
0x4b: {  	_ =	shalt  }
0x4c: {  	_ =	shalt  }
0x4d: {  	_ =	shalt  }
0x4e: {  	_ =	shalt  }
0x4f: {  	_ =	shalt  }
0x50: {  	_ =	shalt  }
0x51: {  	_ =	shalt  }
0x52: {  	_ =	shalt  }
0x53: {  	_ =	shalt  }
0x54: {  	_ =	shalt  }
0x55: {  	_ =	shalt  }
0x56: {  	_ =	shalt  }
0x57: {  	_ =	shalt  }
0x58: {  	_ =	shalt  }
0x59: {  	_ =	shalt  }
0x5a: {  	_ =	shalt  }
0x5b: {  	_ =	shalt  }
0x5c: {  	_ =	shalt  }
0x5d: {  	_ =	shalt  }
0x5e: {  	_ =	shalt  }
0x5f: {  	_ =	shalt  }
0x60: {  	_ =	shalt  }
0x61: {  	_ =	shalt  }
0x62: {  	_ =	shalt  }
0x63: {  	_ =	shalt  }
0x64: {  	_ =	shalt  }
0x65: {  	_ =	shalt  }
0x66: {  	_ =	shalt  }
0x67: {  	_ =	shalt  }
0x68: {  	_ =	shalt  }
0x69: {  	_ =	shalt  }
0x6a: {  	_ =	shalt  }
0x6b: {  	_ =	shalt  }
0x6c: {  	_ =	shalt  }
0x6d: {  	_ =	shalt  }
0x6e: {  	_ =	shalt  }
0x6f: {  	_ =	shalt  }
0x70: {  	_ =	shalt  }
0x71: {  	_ =	shalt  }
0x72: {  	_ =	shalt  }
0x73: {  	_ =	shalt  }
0x74: {  	_ =	shalt  }
0x75: {  	_ =	shalt  }
0x76: {  	_ =	shalt  }
0x77: {  	_ =	shalt  }
0x78: {  	_ =	shalt  }
0x79: {  	_ =	shalt  }
0x7a: {  	_ =	shalt  }
0x7b: {  	_ =	shalt  }
0x7c: {  	_ =	shalt  }
0x7d: {  	_ =	shalt  }
0x7e: {  	_ =	shalt  }
0x7f: {  	_ =	shalt  }
0x80: {  	_ =	shalt  }
0x81: {  	_ =	shalt  }
0x82: {  	_ =	shalt  }
0x83: {  	_ =	shalt  }
0x84: {  	_ =	shalt  }
0x85: {  	_ =	shalt  }
0x86: {  	_ =	shalt  }
0x87: {  	_ =	shalt  }
.Lfunc_end0:
.L_simem_size_0:
called_computation_lowered:
.L_overlay_start_0:
0x88: {  	s2 =	sld [smem:$0x3FD9]  }
0x89: {  	s3 =	sld [smem:$0x3FFE];
	_ =	sdelay $0x1  }
0x8a: {  	s1 =	srdreg.scid  }
0x8b: {  	s0 =	sand.u32 $0x1, s1  }
0x8c: {  	s17 =	sshll.u32 s0, $0xA;
	s2 =	sadd.s32 s3, s2  }
0x8d: {  	s2 =	sadd.s32 s2, s17  }
0x8e: {  	[smem:$0x3FC1] =	sst s2  }
0x8f: {  	_ = 	snop  }
0x90: {  	s2 =	sld [smem:$0x3FD0];
	(tm) =	ssettm $0x1  }
0x91: {  	s18 =	sld [smem:$0x3FFB];
	_ =	sdelay $0x3  }
0x92: {  	_ =	strace s18  }
0x93: {  	s3 =	sld [smem:$0x3FFC];
	_ =	sdelay $0x3  }
0x94: {  	_ =	strace s3  }
0x95: {  	s3 =	sld [smem:$0x3FFD];
	_ =	sdelay $0x3  }
0x96: {  	_ =	strace s3  }
0x97: {  	_ =	strace $0x8FFFFFFF  }
0x98: {  	s19 =	sld [smem:$0x3FDB];
	_ =	sdelay $0x1  }
0x99: {  	s4 =	simm.s32 $_scs_section_size  }
0x9a: {  	s5 =	simm.s32 $_size__tile_overlayer_lowered;
	s6 =	simm.s32 $_tile_overlayer_lowered  }
0x9b: {  	s22 =	simm.s32 $0x1BFF;
	s21 =	sshll.u32 s6, $0x1;
	s3 =	sadd.s32 s4, s19  }
0x9c: {  	s7 =	simm.s32 $0x0;
	s20 =	sshll.u32 s5, $0x1;
	s5 =	sadd.s32 s21, s3  }
0x9d: {  	[timem:s7], [sflag:s22] =	dma.local [hbm:s5], s20  }
0x9e: {  	_ =	swait.ge [sflag:s22], s20  }
0x9f: {  	s4 =	ssub.s32 $0x0, s20;
	[sflag:s22] =	ssyncset.done $0x0  }
0xa0: {  	[sflag:s22] =	ssyncadd.s32 s4;
	_ =	sdelay $0x1  }
0xa1: {  	s23 =	simm.s32 $0x1B8B  }
0xa2: {  	_ =	swait.ge [sflag:s23], $0x1  }
0xa3: {  	[sflag:s23] =	ssyncset.done $0x0  }
0xa4: {  	s25 =	simm.s32 $0x1B8E;
	s24 =	sld [smem:$0x3FFE];
	[sflag:s23] =	ssyncadd.s32 $0xFFFFFFFF  }
0xa5: {  	s26 =	simm.s32 $execute0_lowered;
	[smem:$0x3FD2] =	sst s25  }
0xa6: {  	s5 =	sshll.u32 s26, $0x1;
	_ =	strace $0x80000046;
	[dreg:$0x1] =	wrdreg $0xFFFFFFFF  }
0xa7: {  	s28 =	simm.s32 $_size_execute0_lowered;
	s3 =	sadd.s32 s3, s5;
	[dreg:$0x0] =	wrdreg $0x0  }
0xa8: {  	s5 =	sshll.u32 s28, $0x1;
	[dreg:$0x2] =	wrdreg s3  }
0xa9: {  	[dreg:$0x3] =	wrdreg s5  }
0xaa: {  	[dreg:$0x4] =	wrdreg $0xC0  }
0xab: {  	_ =	task [dreg:s7], $0x5FFFF  }
0xac: {  	[dreg:$0x1] =	wrdreg $0xFFFFFFFF  }
0xad: {  	[dreg:$0x0] =	wrdreg $0x60  }
0xae: {  	[dreg:$0x2] =	wrdreg s24  }
0xaf: {  	[dreg:$0x3] =	wrdreg s2  }
0xb0: {  	[dreg:$0x4] =	wrdreg $0x2800  }
0xb1: {  	[dreg:$0x5] =	wrdreg $0x9  }
0xb2: {  	_ =	task.clear_ibuf [dreg:s7], $0x6FFFF;
	_ =	strace $0x90000046  }
0xb3: {  	s29 =	simm.s32 $0x9;
	_ =	strace $0x80000048  }
0xb4: {  	_ =	swait.ge [sflag:s29], $0x1  }
0xb5: {  	[sflag:s29] =	ssyncadd.s32 $0xFFFFFFFF  }
0xb6: {  	_ =	strace $0x90000048  }
0xb7: {  	_ =	sfence  }
0xb8: {  	s30 =	sld [smem:$0x0];
	_ =	sdelay $0x2  }
0xb9: {  	s31 =	sshll.u32 s1, $0xD;
	s1 =	sshrl.u32 s1, $0x2  }
0xba: {  	s3 =	sand.u32 $0x4000, s31;
	s1 =	sadd.s32 s1, s30  }
0xbb: {  	s0 =	sor.u32 s3, s0;
	s1 =	sshll.u32 s1, $0x11  }
0xbc: {  	s0 =	sor.u32 s1, s0  }
0xbd: {  	s0 =	sadd.s32 $0x8F2B, s0  }
0xbe: {  	[sflag:s0] =	ssyncadd.remote.s32 $0x1  }
0xbf: {  	_ =	sfence.sel $0xFFFF  }
0xc0: {  	[dreg:$0x0] =	wrdreg $0xFFFFFFFF;
	(pc) =	sbr.abs _section_cstart, $3  }
0xc1: {  	[dreg:$0x1] =	wrdreg $0xFFFFFFFF  }
0xc2: {  	_ =	task.clear_ibuf [dreg:s7], $0x2FFFF;
	_ =	strace $0x9FFFFFFF  }
0xc3: {  	(tm) =	ssettm $0x7FFFFFFF  }
tec
execute0_lowered:
.L_overlay_start_1:
0x0: {  	(tag) =	ssettag $0x1  }
0x1: {  	s6 =	rddreg [dreg:$0x0]  }
0x2: {  	s1 =	srdreg.scid;
	s2 =	rddreg [dreg:$0x1]  }
0x3: {  	s0 =	stileid.u32;
	s3 =	rddreg [dreg:$0x2]  }
0x4: {  	s4 =	simm.s32 $0x0;
	s12 =	simm.s32 $0x200;
	s7 =	smul.u32 $0x18700, s0  }
0x5: {  	s13 =	simm.s32 $0x80;
	s5 =	sand.u32 $0x1, s1;
	s9 =	smul.u32 $0x1880, s0  }
0x6: {  	s14 =	simm.s32 $0x0;
	s1 =	rddreg [dreg:$0x3];
	s8 =	smul.u32 $0xC380, s5  }
0x7: {  	[smem:$0x7FF] =	sst s4;
	s31 =	sshll.u32 s0, $0x6;
	s10 =	smul.u32 $0x18800, s5  }
0x8: {  	_ =	strace $0x80000047;
	s29 =	ssub.s32 $0x2, s5;
	s5 =	sadd.s32 $0x32200, s6  }
0x9: {  	s30 =	sshrl.u32 s29, $0x1;
	s11 =	sadd.s32 s9, s3;
	s7 =	sadd.s32 s8, s7  }
0xa: {  	s25 =	sadd.s32 s9, s10;
	s8 =	ssub.s32 s29, s30;
	s10 =	sshrl.u32 s11, $0x3  }
0xb: {  	s11 =	simm.s32 $0x1;
	s7 =	sshrl.u32 s7, $0x3;
	s28 =	sshrl.u32 s25, $0x3  }
0xc: {  	s8 =	smax.u32 s8, $0x1;
	s26 =	sadd.s32 s7, s6;
	s7 =	sadd.s32 s28, s6  }
0xd: {  	s6 =	sor.u32 $0x1C01, s31;
	s7 =	sadd.s32 $0x32600, s7;
	s9 =	sadd.s32 $0x1400, s26  }
.LBB2_1:
0xe: {  	[spmem:s10], [sflag:s6] =	dma.local [hbm:s5], $0x310  }
0xf: {  	_ =	swait.ge [sflag:s11], $0x310  }
0x10: {  	[sflag:s11] =	ssyncset.done $0x0  }
0x11: {  	[sflag:s11] =	ssyncadd.s32 $0xFFFFFCF0  }
0x12: {  	[tilespmem:s12], [sflag:$0x1] =	stream.linear.gather [hbm4b:s2+s4], $0x80, $0x38;
	[tilespmem:$0x1B00] =	vst v63  }
0x13: {  	_ =	swait.ge [sflag:s11], $0x80  }
0x14: {  	[sflag:s11] =	ssyncset.done $0x0  }
0x15: {  	[sflag:s11] =	ssyncadd.s32 $0xFFFFFF80  }
0x16: {  	s15 =	sadd.s32 $0x0, s9;
	[bflag:$0x0] =	sbarrier.arrive $0xFFFF  }
0x17: {  	[tilespmem:s4], [sflag:$0x1] =	stream.linear.gather [hbm4b:s15+s4], $0x80, $0x38;
	[tilespmem:$0x1B00] =	vst v63  }
0x18: {  	_ =	swait.ge [sflag:s11], $0x80  }
0x19: {  	[sflag:s11] =	ssyncset.done $0x0  }
0x1a: {  	[sflag:s11] =	ssyncadd.s32 $0xFFFFFF80  }
0x1b: {  	[spmem:s3] =	stream.indirect.scatter.add.f32 [tilespmem:s12], [sflag:$0x1], $0x1, s4, s13, $0xb8;
	[tilespmem:$0x1B00] =	vst v63  }
0x1c: {  	_ =	swait.ge [sflag:s11], $0x80  }
0x1d: {  	s16 =	simm.s32 $0x20;
	s15 =	simm.s32 $0x10;
	[sflag:s11] =	ssyncset.done $0x0  }
.LBB2_2:
0x1e: {  	s17 =	sadd.s32 s15, s9  }
0x1f: {  	[sflag:s11] =	ssyncadd.s32 $0xFFFFFF80;
	s15 =	smov.u32 s16;
	s18 =	sadd.s32 $0x10, s16  }
0x20: {  	[tilespmem:s4], [sflag:$0x1] =	stream.linear.gather [hbm4b:s17+s4], $0x80, $0x38;
	[tilespmem:$0x1B00] =	vst v63  }
0x21: {  	p0 =	sne.s32 s16, $0x1860;
	_ =	swait.ge [sflag:s11], $0x80  }
.Ltmp0:
0x22: {  	[sflag:s11] =	ssyncset.done $0x0;
	(pc) =	sbr.rel @p0 .LBB2_2-.Ltmp0, $4  }
0x23: {  	[sflag:s11] =	ssyncadd.s32 $0xFFFFFF80  }
0x24: {  	[spmem:s3] =	stream.indirect.scatter.add.f32 [tilespmem:s12], [sflag:$0x1], $0x1, s4, s13, $0xb8;
	[tilespmem:$0x1B00] =	vst v63  }
0x25: {  	_ =	swait.ge [sflag:s11], $0x80  }
0x26: {  	s16 =	smov.u32 s18;
	[sflag:s11] =	ssyncset.done $0x0  }
0x27: {  	s15 =	sadd.s32 s15, s9;
	[sflag:s11] =	ssyncadd.s32 $0xFFFFFF80  }
0x28: {  	[tilespmem:s4], [sflag:$0x1] =	stream.linear.gather [hbm4b:s15+s4], $0x80, $0x38;
	[tilespmem:$0x1B00] =	vst v63  }
0x29: {  	_ =	swait.ge [sflag:s11], $0x80  }
0x2a: {  	[sflag:s11] =	ssyncset.done $0x0  }
0x2b: {  	[sflag:s11] =	ssyncadd.s32 $0xFFFFFF80  }
0x2c: {  	[spmem:s3] =	stream.indirect.scatter.add.f32 [tilespmem:s12], [sflag:$0x1], $0x1, s4, s13, $0xb8;
	[tilespmem:$0x1B00] =	vst v63  }
0x2d: {  	_ =	swait.ge [sflag:s11], $0x80  }
0x2e: {  	s14 =	sadd.s32 $0x1, s14;
	[sflag:s11] =	ssyncset.done $0x0  }
0x2f: {  	p0 =	sne.s32 s14, s8;
	[sflag:s11] =	ssyncadd.s32 $0xFFFFFF80  }
.Ltmp1:
0x30: {  	[bflag:$0x0] =	sbarrier.arrive $0xFFFF;
	(pc) =	sbr.rel @p0 .LBB2_1-.Ltmp1, $4  }
0x31: {  	[hbm:s7], [sflag:s6] =	dma.local [spmem:s10], $0x310  }
0x32: {  	_ =	swait.ge [sflag:s11], $0x310  }
0x33: {  	[sflag:s11] =	ssyncset.done $0x0  }
0x34: {  	[sflag:s11] =	ssyncadd.s32 $0xFFFFFCF0  }
0x35: {  	_ =	sfence.sel $0x180000  }
0x36: {  	[bflag:$0x0] =	sbarrier.arrive $0xFFFF  }
0x37: {  	p0 =	sne.s32 s0, $0x0;
	_ =	strace $0x90000047  }
0x38: {  	s0 =	sadd.s32 @!p0 $0x100000, s1;
	[bflag:$0x2] =	sbarrier.arrive $0xFFFF  }
0x39: {  	[sflag:s0] =	ssyncadd.tile.s32 @!p0 $0x1;
	_ =	shalt  }
.Lfunc_end2:
_tile_overlayer_lowered:
.L_overlay_start_2:
0x3a: {  	(tag) =	ssettag $0x2  }
0x3b: {  	s0 =	rddreg [dreg:$0x0];
	s2 =	stileid.u32  }
0x3c: {  	s1 =	rddreg [dreg:$0x1];
	p0 =	sne.s32 s2, $0x0  }
0x3d: {  	s3 =	rddreg [dreg:$0x2];
	[bflag:$0x3] =	sbarrier.arrive $0xFFFF;
	s2 =	simm.s32 @!p0 $0x1C01  }
0x3e: {  	[timem:s3], [sflag:s2] =	dma.local @!p0 [hbm:s0], s1  }
0x3f: {  	s0 =	simm.s32 @!p0 $0x1  }
0x40: {  	_ =	swait.ge @!p0 [sflag:s0], s1  }
0x41: {  	s1 =	ssub.s32 @!p0 $0x0, s1;
	[sflag:s0] =	ssyncset.done @!p0 $0x0  }
0x42: {  	[sflag:s0] =	ssyncadd.s32 @!p0 s1  }
0x43: {  	[bflag:$0x3] =	sbarrier.arrive $0xFFFF  }
0x44: {  	_ =	shalt  }

// kernel: kernel.9.cloned.1.call-start
scs
__scs_entry_jumppad:
0x0: {  	(pc) =	sbr.rel $0x88, $3  }
0x1: {  	(tag) =	ssettag $0x0;
	lr =	simm.s32 $0x1  }
0x2: {  	[smem:$0x3F9A] =	sst lr;
	_ =	strace $0xD0000000  }
0x3: {  	_ = 	snop  }
0x4: {  	_ = 	snop  }
0x5: {  	_ = 	snop  }
0x6: {  	_ = 	snop  }
0x7: {  	_ = 	snop  }
__scs_overlays_trampoline_lowered:
0x8: {  	[smem:$0x3FA9] =	sst s0  }
0x9: {  	[smem:$0x3FAA] =	sst s1  }
0xa: {  	[smem:$0x3FAB] =	sst s2  }
0xb: {  	[smem:$0x3FAC] =	sst s3  }
0xc: {  	[smem:$0x3FAD] =	sst s4  }
0xd: {  	[smem:$0x3FAE] =	sst s5  }
0xe: {  	[smem:$0x3FAF] =	sst s6  }
0xf: {  	[smem:$0x3FB0] =	sst s7  }
0x10: {  	[smem:$0x3FB1] =	sst s8  }
0x11: {  	[smem:$0x3FB2] =	sst s9;
	s0 =	simm.s32 @!p0 $0x0  }
0x12: {  	s1 =	sld [smem:$0x3F98];
	s0 =	simm.s32 @p0 $0x1  }
0x13: {  	[smem:$0x3FB3] =	sst s0;
	s0 =	simm.s32 @!p1 $0x0  }
0x14: {  	s2 =	sld [smem:$0x3F97];
	s0 =	simm.s32 @p1 $0x1  }
0x15: {  	[smem:$0x3FB4] =	sst s0;
	s0 =	simm.s32 @!p2 $0x0  }
0x16: {  	s3 =	sld [smem:$0x3FDB];
	s0 =	simm.s32 @p2 $0x1  }
0x17: {  	s4 =	simm.s32 $0x1BF5;
	[smem:$0x3FB6] =	sst s0  }
0x18: {  	s0 =	sld [smem:$0x3F99];
	_ =	swait.ge [sflag:s4], $0x0  }
0x19: {  	s7 =	sld [smem:$0x3F9A]  }
0x1a: {  	s8 =	sadd.s32 $0xFFFFE003, lr  }
0x1b: {  	s9 =	sadd.s32 $0xFFFFFEF7, lr;
	s5 =	simm.s32 $0xFFFFFFFF;
	p2 =	slt.u32 s8, $0xFFFFF086  }
0x1c: {  	p1 =	slt.u32 s9, $0xF7A;
	s5 =	simm.s32 @!p2 $0x0  }
0x1d: {  	s5 =	simm.s32 @p1 $0x1;
	p0 =	seq.s32 s7, s2  }
0x1e: {  	s7 =	smul.u32 @!p0 $0xF7A, s2;
	p2 =	seq.s32 @!p0 s5, $0x0  }
0x1f: {  	s9 =	smul.u32 $0xF7A, s1;
	s8 =	simm.s32 @!p0 $0x1BF5;
	p2 =	por !p2, p0  }
0x20: {  	[sflag:s8] =	ssyncset.s32 @!p0 $0xFFFFF086;
	s6 =	sadd.s32 @!p0 s3, s7;
	s7 =	simm.s32 @!p0 $0x108  }
0x21: {  	s3 =	sadd.s32 s3, s9;
	s6 =	sadd.s32 @!p0 $0x88, s6;
	s7 =	simm.s32 @p2 $0x1082  }
0x22: {  	[simem:s7], [sflag:s8] =	dma.local @!p0 [hbm:s6], $0xF7A  }
0x23: {  	s9 =	sor.u32 $0xD0000000, s2;
	s6 =	simm.s32 $0x108;
	_ =	swait.ge @!p0 [sflag:s8], $0x0  }
0x24: {  	s3 =	sadd.s32 $0x88, s3;
	s6 =	simm.s32 @!p1 $0x1082;
	[sflag:s4] =	ssyncset.s32 $0xFFFFF086  }
0x25: {  	[simem:s6], [sflag:s4] =	dma.local [hbm:s3], $0xF7A  }
0x26: {  	[smem:$0x3F9A] =	sst s1;
	(tag) =	ssettag s2;
	_ =	strace s9  }
0x27: {  	s1 =	sld [smem:$0x3FAA]  }
0x28: {  	s2 =	sld [smem:$0x3FAB]  }
0x29: {  	s4 =	sld [smem:$0x3FAD]  }
0x2a: {  	p0 =	seq.s32 s5, $0x0;
	s5 =	sld [smem:$0x3FAE]  }
0x2b: {  	s6 =	sld [smem:$0x3FAF]  }
0x2c: {  	s7 =	sld [smem:$0x3FB0]  }
0x2d: {  	s3 =	simm.s32 $0x108;
	s8 =	sld [smem:$0x3FB1]  }
0x2e: {  	s3 =	simm.s32 @!p0 $0x1082;
	s9 =	sld [smem:$0x3FB2]  }
0x2f: {  	lr =	sadd.s32 s0, s3;
	s0 =	sld [smem:$0x3FA9]  }
0x30: {  	s3 =	sld [smem:$0x3FAC]  }
0x31: {  	[smem:$0x3FB5] =	sst s10  }
0x32: {  	s10 =	sld [smem:$0x3FB3];
	_ =	sdelay $0x3  }
0x33: {  	p0 =	seq.s32 s10, $0x1;
	s10 =	sld [smem:$0x3FB5];
	_ =	sdelay $0x3  }
0x34: {  	[smem:$0x3FB5] =	sst s10  }
0x35: {  	s10 =	sld [smem:$0x3FB4];
	_ =	sdelay $0x3  }
0x36: {  	p1 =	seq.s32 s10, $0x1;
	s10 =	sld [smem:$0x3FB5];
	_ =	sdelay $0x3  }
0x37: {  	[smem:$0x3FB5] =	sst s10  }
0x38: {  	s10 =	sld [smem:$0x3FB6]  }
0x39: {  	_ = 	snop;
	(pc) =	sbr.ind lr, $3  }
0x3a: {  	_ = 	snop  }
0x3b: {  	_ = 	snop  }
0x3c: {  	p2 =	seq.s32 s10, $0x1;
	s10 =	sld [smem:$0x3FB5]  }
0x3d: {  	_ =	shalt  }
0x3e: {  	_ =	shalt  }
0x3f: {  	_ =	shalt  }
0x40: {  	_ =	shalt  }
0x41: {  	_ =	shalt  }
0x42: {  	_ =	shalt  }
0x43: {  	_ =	shalt  }
0x44: {  	_ =	shalt  }
0x45: {  	_ =	shalt  }
0x46: {  	_ =	shalt  }
0x47: {  	_ =	shalt  }
0x48: {  	_ =	shalt  }
0x49: {  	_ =	shalt  }
0x4a: {  	_ =	shalt  }
0x4b: {  	_ =	shalt  }
0x4c: {  	_ =	shalt  }
0x4d: {  	_ =	shalt  }
0x4e: {  	_ =	shalt  }
0x4f: {  	_ =	shalt  }
0x50: {  	_ =	shalt  }
0x51: {  	_ =	shalt  }
0x52: {  	_ =	shalt  }
0x53: {  	_ =	shalt  }
0x54: {  	_ =	shalt  }
0x55: {  	_ =	shalt  }
0x56: {  	_ =	shalt  }
0x57: {  	_ =	shalt  }
0x58: {  	_ =	shalt  }
0x59: {  	_ =	shalt  }
0x5a: {  	_ =	shalt  }
0x5b: {  	_ =	shalt  }
0x5c: {  	_ =	shalt  }
0x5d: {  	_ =	shalt  }
0x5e: {  	_ =	shalt  }
0x5f: {  	_ =	shalt  }
0x60: {  	_ =	shalt  }
0x61: {  	_ =	shalt  }
0x62: {  	_ =	shalt  }
0x63: {  	_ =	shalt  }
0x64: {  	_ =	shalt  }
0x65: {  	_ =	shalt  }
0x66: {  	_ =	shalt  }
0x67: {  	_ =	shalt  }
0x68: {  	_ =	shalt  }
0x69: {  	_ =	shalt  }
0x6a: {  	_ =	shalt  }
0x6b: {  	_ =	shalt  }
0x6c: {  	_ =	shalt  }
0x6d: {  	_ =	shalt  }
0x6e: {  	_ =	shalt  }
0x6f: {  	_ =	shalt  }
0x70: {  	_ =	shalt  }
0x71: {  	_ =	shalt  }
0x72: {  	_ =	shalt  }
0x73: {  	_ =	shalt  }
0x74: {  	_ =	shalt  }
0x75: {  	_ =	shalt  }
0x76: {  	_ =	shalt  }
0x77: {  	_ =	shalt  }
0x78: {  	_ =	shalt  }
0x79: {  	_ =	shalt  }
0x7a: {  	_ =	shalt  }
0x7b: {  	_ =	shalt  }
0x7c: {  	_ =	shalt  }
0x7d: {  	_ =	shalt  }
0x7e: {  	_ =	shalt  }
0x7f: {  	_ =	shalt  }
0x80: {  	_ =	shalt  }
0x81: {  	_ =	shalt  }
0x82: {  	_ =	shalt  }
0x83: {  	_ =	shalt  }
0x84: {  	_ =	shalt  }
0x85: {  	_ =	shalt  }
0x86: {  	_ =	shalt  }
0x87: {  	_ =	shalt  }
.Lfunc_end0:
.L_simem_size_0:
called_computation.1_lowered:
.L_overlay_start_0:
0x88: {  	s2 =	sld [smem:$0x3FD9]  }
0x89: {  	s3 =	sld [smem:$0x3FFE];
	_ =	sdelay $0x1  }
0x8a: {  	s1 =	srdreg.scid  }
0x8b: {  	s0 =	sand.u32 $0x1, s1  }
0x8c: {  	s16 =	sshll.u32 s0, $0xA;
	s2 =	sadd.s32 s3, s2  }
0x8d: {  	s2 =	sadd.s32 s2, s16  }
0x8e: {  	[smem:$0x3FC1] =	sst s2  }
0x8f: {  	_ = 	snop  }
0x90: {  	(tm) =	ssettm $0x1  }
0x91: {  	s17 =	sld [smem:$0x3FFB];
	_ =	sdelay $0x3  }
0x92: {  	_ =	strace s17  }
0x93: {  	s2 =	sld [smem:$0x3FFC];
	_ =	sdelay $0x3  }
0x94: {  	_ =	strace s2  }
0x95: {  	s2 =	sld [smem:$0x3FFD];
	_ =	sdelay $0x3  }
0x96: {  	_ =	strace s2  }
0x97: {  	_ =	strace $0x8FFFFFFF  }
0x98: {  	s18 =	sld [smem:$0x3FDB];
	_ =	sdelay $0x1  }
0x99: {  	s19 =	simm.s32 $_scs_section_size  }
0x9a: {  	s4 =	simm.s32 $_size__tile_overlayer_lowered;
	s5 =	simm.s32 $_tile_overlayer_lowered  }
0x9b: {  	s22 =	simm.s32 $0x1BFF;
	s21 =	sshll.u32 s5, $0x1;
	s2 =	sadd.s32 s19, s18  }
0x9c: {  	s6 =	simm.s32 $0x0;
	s20 =	sshll.u32 s4, $0x1;
	s4 =	sadd.s32 s21, s2  }
0x9d: {  	[timem:s6], [sflag:s22] =	dma.local [hbm:s4], s20  }
0x9e: {  	_ =	swait.ge [sflag:s22], s20  }
0x9f: {  	s3 =	ssub.s32 $0x0, s20;
	[sflag:s22] =	ssyncset.done $0x0  }
0xa0: {  	[sflag:s22] =	ssyncadd.s32 s3;
	_ =	sdelay $0x1  }
0xa1: {  	s23 =	simm.s32 $0x1B8B  }
0xa2: {  	_ =	swait.ge [sflag:s23], $0x1  }
0xa3: {  	[sflag:s23] =	ssyncset.done $0x0  }
0xa4: {  	s25 =	simm.s32 $0x1B8E;
	s24 =	sld [smem:$0x3FFE];
	[sflag:s23] =	ssyncadd.s32 $0xFFFFFFFF  }
0xa5: {  	s26 =	simm.s32 $execute0_lowered;
	[smem:$0x3FD2] =	sst s25  }
0xa6: {  	s4 =	sshll.u32 s26, $0x1;
	_ =	strace $0x80000049;
	[dreg:$0x1] =	wrdreg $0xFFFFFFFF  }
0xa7: {  	s28 =	simm.s32 $_size_execute0_lowered;
	s2 =	sadd.s32 s2, s4;
	[dreg:$0x0] =	wrdreg $0x0  }
0xa8: {  	s4 =	sshll.u32 s28, $0x1;
	[dreg:$0x2] =	wrdreg s2  }
0xa9: {  	[dreg:$0x3] =	wrdreg s4  }
0xaa: {  	[dreg:$0x4] =	wrdreg $0xC0  }
0xab: {  	_ =	task [dreg:s6], $0x5FFFF  }
0xac: {  	[dreg:$0x1] =	wrdreg $0xFFFFFFFF  }
0xad: {  	[dreg:$0x0] =	wrdreg $0x60  }
0xae: {  	[dreg:$0x2] =	wrdreg s24  }
0xaf: {  	[dreg:$0x3] =	wrdreg $0xC000  }
0xb0: {  	[dreg:$0x4] =	wrdreg $0x9  }
0xb1: {  	_ =	task.clear_ibuf [dreg:s6], $0x5FFFF;
	_ =	strace $0x90000049  }
0xb2: {  	s29 =	simm.s32 $0x9;
	_ =	strace $0x8000004B  }
0xb3: {  	_ =	swait.ge [sflag:s29], $0x1  }
0xb4: {  	[sflag:s29] =	ssyncadd.s32 $0xFFFFFFFF  }
0xb5: {  	_ =	strace $0x9000004B  }
0xb6: {  	_ =	sfence  }
0xb7: {  	s30 =	sld [smem:$0x0];
	_ =	sdelay $0x2  }
0xb8: {  	s31 =	sshll.u32 s1, $0xD;
	s1 =	sshrl.u32 s1, $0x2  }
0xb9: {  	s3 =	sand.u32 $0x4000, s31;
	s1 =	sadd.s32 s1, s30  }
0xba: {  	s0 =	sor.u32 s3, s0;
	s1 =	sshll.u32 s1, $0x11  }
0xbb: {  	s0 =	sor.u32 s1, s0  }
0xbc: {  	s0 =	sadd.s32 $0x8F2B, s0  }
0xbd: {  	[sflag:s0] =	ssyncadd.remote.s32 $0x1  }
0xbe: {  	_ =	sfence.sel $0xFFFF  }
0xbf: {  	[dreg:$0x0] =	wrdreg $0xFFFFFFFF;
	(pc) =	sbr.abs _section_cstart, $3  }
0xc0: {  	[dreg:$0x1] =	wrdreg $0xFFFFFFFF  }
0xc1: {  	_ =	task.clear_ibuf [dreg:s6], $0x2FFFF;
	_ =	strace $0x9FFFFFFF  }
0xc2: {  	(tm) =	ssettm $0x7FFFFFFF  }
0xc3: {  	_ =	shalt  }
tec
execute0_lowered:
.L_overlay_start_1:
0x0: {  	(tag) =	ssettag $0x1  }
0x1: {  	s1 =	srdreg.scid;
	s6 =	rddreg [dreg:$0x0]  }
0x2: {  	s0 =	stileid.u32;
	s2 =	rddreg [dreg:$0x1];
	s3 =	simm.s32 $0x0  }
0x3: {  	s12 =	simm.s32 $0x2;
	s13 =	simm.s32 $0x200;
	s14 =	simm.s32 $0x80  }
0x4: {  	s15 =	simm.s32 $0x400;
	s16 =	simm.s32 $0x1;
	s4 =	smul.u32 $0x18700, s0  }
0x5: {  	s5 =	sand.u32 $0x1, s1;
	s1 =	rddreg [dreg:$0x2];
	s8 =	smul.u32 $0x18800, s0  }
0x6: {  	s17 =	simm.s32 $0x0;
	[smem:$0x7FF] =	sst s3;
	s7 =	smul.u32 $0xC380, s5  }
0x7: {  	s31 =	sshll.u32 s0, $0x6;
	s29 =	smul.u32 $0x188000, s5;
	s9 =	ssub.s32 $0x2, s5  }
0x8: {  	_ =	strace $0x8000004A;
	s5 =	sadd.s32 $0x32200, s6;
	s30 =	sshrl.u32 s9, $0x1  }
0x9: {  	s11 =	sadd.s32 s8, s2;
	s4 =	sadd.s32 s7, s4;
	s7 =	sadd.s32 s8, s29  }
0xa: {  	s9 =	ssub.s32 s9, s30;
	s11 =	sshrl.u32 s11, $0x3;
	s4 =	sshrl.u32 s4, $0x3  }
0xb: {  	s7 =	sshrl.u32 s7, $0x3;
	s8 =	smax.u32 s9, $0x1;
	s10 =	sadd.s32 s4, s6  }
0xc: {  	s4 =	sadd.s32 $0x69600, s6;
	s7 =	sadd.s32 s7, s6;
	s6 =	sor.u32 $0x1C02, s31  }
0xd: {  	s7 =	sadd.s32 $0x9A600, s7;
	s9 =	sadd.s32 $0x1400, s10;
	s10 =	sadd.s32 $0x38800, s10  }
.LBB2_1:
0xe: {  	[spmem:s11], [sflag:s6] =	dma.local [hbm:s5], $0x3100  }
0xf: {  	_ =	swait.ge [sflag:s12], $0x3100  }
0x10: {  	[sflag:s12] =	ssyncset.done $0x0  }
0x11: {  	[sflag:s12] =	ssyncadd.s32 $0xFFFFCF00  }
0x12: {  	s18 =	sadd.s32 $0x0, s10;
	[bflag:$0x0] =	sbarrier.arrive $0xFFFF  }
0x13: {  	[tilespmem:s3], [sflag:$0x2] =	stream.linear.gather [hbm4b:s18+s3], $0x80, $0x38;
	[tilespmem:$0x19400] =	vst v63  }
0x14: {  	_ =	swait.ge [sflag:s12], $0x80  }
0x15: {  	[sflag:s12] =	ssyncset.done $0x0  }
0x16: {  	s31 =	sadd.s32 $0x0, s9;
	[sflag:s12] =	ssyncadd.s32 $0xFFFFFF80  }
0x17: {  	[tilespmem:s13], [sflag:$0x2] =	stream.linear.gather [hbm4b:s31+s3], $0x80, $0x38;
	[tilespmem:$0x19400] =	vst v63  }
0x18: {  	_ =	swait.ge [sflag:s12], $0x80  }
0x19: {  	[sflag:s12] =	ssyncset.done $0x0  }
0x1a: {  	[sflag:s12] =	ssyncadd.s32 $0xFFFFFF80  }
0x1b: {  	[tilespmem:s15], [sflag:$0x1] =	stream.indirect.gather [hbm4b:s4+s14], $0x10, s3, s14, $0xb8;
	[tilespmem:$0x19400] =	vst v63  }
0x1c: {  	_ =	swait.ge [sflag:s16], $0x800  }
0x1d: {  	[sflag:s16] =	ssyncset.done $0x0  }
0x1e: {  	[sflag:s16] =	ssyncadd.s32 $0xFFFFF800  }
0x1f: {  	[spmem:s2] =	stream.indirect.scatter.add.f32 [tilespmem:s15], [sflag:$0x2], $0x10, s13, s14, $0xb8;
	[tilespmem:$0x19400] =	vst v63  }
0x20: {  	_ =	swait.ge [sflag:s12], $0x800  }
0x21: {  	s19 =	simm.s32 $0x20;
	s18 =	simm.s32 $0x10;
	[sflag:s12] =	ssyncset.done $0x0  }
.LBB2_2:
0x22: {  	s20 =	sadd.s32 s18, s10  }
0x23: {  	[sflag:s12] =	ssyncadd.s32 $0xFFFFF800;
	s21 =	smov.u32 s19;
	s22 =	sadd.s32 $0x10, s19  }
0x24: {  	[tilespmem:s3], [sflag:$0x2] =	stream.linear.gather [hbm4b:s20+s3], $0x80, $0x38;
	[tilespmem:$0x19400] =	vst v63  }
0x25: {  	p0 =	sne.s32 s19, $0x1860;
	_ =	swait.ge [sflag:s12], $0x80  }
0x26: {  	[sflag:s12] =	ssyncset.done $0x0  }
0x27: {  	s19 =	sadd.s32 s18, s9;
	s18 =	smov.u32 s21;
	[sflag:s12] =	ssyncadd.s32 $0xFFFFFF80  }
0x28: {  	[tilespmem:s13], [sflag:$0x2] =	stream.linear.gather [hbm4b:s19+s3], $0x80, $0x38;
	[tilespmem:$0x19400] =	vst v63  }
0x29: {  	_ =	swait.ge [sflag:s12], $0x80  }
0x2a: {  	[sflag:s12] =	ssyncset.done $0x0  }
0x2b: {  	[sflag:s12] =	ssyncadd.s32 $0xFFFFFF80  }
0x2c: {  	[tilespmem:s15], [sflag:$0x1] =	stream.indirect.gather [hbm4b:s4+s14], $0x10, s3, s14, $0xb8;
	[tilespmem:$0x19400] =	vst v63  }
0x2d: {  	_ =	swait.ge [sflag:s16], $0x800  }
.Ltmp0:
0x2e: {  	[sflag:s16] =	ssyncset.done $0x0;
	(pc) =	sbr.rel @p0 .LBB2_2-.Ltmp0, $4  }
0x2f: {  	[sflag:s16] =	ssyncadd.s32 $0xFFFFF800  }
0x30: {  	[spmem:s2] =	stream.indirect.scatter.add.f32 [tilespmem:s15], [sflag:$0x2], $0x10, s13, s14, $0xb8;
	[tilespmem:$0x19400] =	vst v63  }
0x31: {  	_ =	swait.ge [sflag:s12], $0x800  }
0x32: {  	s19 =	smov.u32 s22;
	[sflag:s12] =	ssyncset.done $0x0  }
0x33: {  	s19 =	sadd.s32 s18, s10;
	[sflag:s12] =	ssyncadd.s32 $0xFFFFF800  }
0x34: {  	[tilespmem:s3], [sflag:$0x2] =	stream.linear.gather [hbm4b:s19+s3], $0x80, $0x38;
	[tilespmem:$0x19400] =	vst v63  }
0x35: {  	_ =	swait.ge [sflag:s12], $0x80  }
0x36: {  	[sflag:s12] =	ssyncset.done $0x0  }
0x37: {  	s31 =	sadd.s32 s18, s9;
	[sflag:s12] =	ssyncadd.s32 $0xFFFFFF80  }
0x38: {  	[tilespmem:s13], [sflag:$0x2] =	stream.linear.gather [hbm4b:s31+s3], $0x80, $0x38;
	[tilespmem:$0x19400] =	vst v63  }
0x39: {  	_ =	swait.ge [sflag:s12], $0x80  }
0x3a: {  	[sflag:s12] =	ssyncset.done $0x0  }
0x3b: {  	[sflag:s12] =	ssyncadd.s32 $0xFFFFFF80  }
0x3c: {  	[tilespmem:s15], [sflag:$0x1] =	stream.indirect.gather [hbm4b:s4+s14], $0x10, s3, s14, $0xb8;
	[tilespmem:$0x19400] =	vst v63  }
0x3d: {  	_ =	swait.ge [sflag:s16], $0x800  }
0x3e: {  	[sflag:s16] =	ssyncset.done $0x0  }
0x3f: {  	[sflag:s16] =	ssyncadd.s32 $0xFFFFF800  }
0x40: {  	[spmem:s2] =	stream.indirect.scatter.add.f32 [tilespmem:s15], [sflag:$0x2], $0x10, s13, s14, $0xb8;
	[tilespmem:$0x19400] =	vst v63  }
0x41: {  	_ =	swait.ge [sflag:s12], $0x800  }
0x42: {  	s17 =	sadd.s32 $0x1, s17;
	[sflag:s12] =	ssyncset.done $0x0  }
0x43: {  	p0 =	sne.s32 s17, s8;
	[sflag:s12] =	ssyncadd.s32 $0xFFFFF800  }
.Ltmp1:
0x44: {  	[bflag:$0x0] =	sbarrier.arrive $0xFFFF;
	(pc) =	sbr.rel @p0 .LBB2_1-.Ltmp1, $4  }
0x45: {  	[hbm:s7], [sflag:s6] =	dma.local [spmem:s11], $0x3100  }
0x46: {  	_ =	swait.ge [sflag:s12], $0x3100  }
0x47: {  	[sflag:s12] =	ssyncset.done $0x0  }
0x48: {  	[sflag:s12] =	ssyncadd.s32 $0xFFFFCF00  }
0x49: {  	_ =	sfence.sel $0x180000  }
0x4a: {  	[bflag:$0x0] =	sbarrier.arrive $0xFFFF  }
0x4b: {  	p0 =	sne.s32 s0, $0x0;
	_ =	strace $0x9000004A  }
0x4c: {  	s0 =	sadd.s32 @!p0 $0x100000, s1;
	[bflag:$0x2] =	sbarrier.arrive $0xFFFF  }
0x4d: {  	[sflag:s0] =	ssyncadd.tile.s32 @!p0 $0x1;
	_ =	shalt  }
.Lfunc_end2:
_tile_overlayer_lowered:
.L_overlay_start_2:
0x4e: {  	(tag) =	ssettag $0x2  }
0x4f: {  	s0 =	rddreg [dreg:$0x0];
	s2 =	stileid.u32  }
0x50: {  	s1 =	rddreg [dreg:$0x1];
	p0 =	sne.s32 s2, $0x0  }
0x51: {  	s3 =	rddreg [dreg:$0x2];
	[bflag:$0x3] =	sbarrier.arrive $0xFFFF;
	s2 =	simm.s32 @!p0 $0x1C02  }
0x52: {  	[timem:s3], [sflag:s2] =	dma.local @!p0 [hbm:s0], s1  }
0x53: {  	s0 =	simm.s32 @!p0 $0x2  }
0x54: {  	_ =	swait.ge @!p0 [sflag:s0], s1  }
0x55: {  	s1 =	ssub.s32 @!p0 $0x0, s1;
	[sflag:s0] =	ssyncset.done @!p0 $0x0  }
0x56: {  	[sflag:s0] =	ssyncadd.s32 @!p0 s1  }
0x57: {  	[bflag:$0x3] =	sbarrier.arrive $0xFFFF  }
0x58: {  	_ =	shalt  }

</sc_bundles>
